<compile_context>
chip_gen: v7x
topology: tpu7x:2x2x1
jax: 0.10.2.dev20260603
libtpu: 0.0.44.dev20260713+nightly
codegen_flags: <defaults>
</compile_context>

<pallas_src>
import functools

import jax
import jax.numpy as jnp
from jax import lax
from jax.experimental import pallas as pl
from jax.experimental.pallas import tpu as pltpu
from jax.experimental.pallas import tpu_sc as plsc

B = 8
L = 4096
MIN_DIST = 32
NLANES = 16
NBLOCKS = 32
BLOCK = L // NBLOCKS
BLOCK_SHIFT = 7
CHUNKS_PER_BLOCK = BLOCK // NLANES
NEG = float("-inf")
BIGI = 1 << 30


def _nms_body(x_hbm, out_hbm, x_v, vals_v, out_v):
    w = lax.axis_index("s") * 2 + lax.axis_index("c")

    @pl.when(w < B)
    def _():
        b = w
        pltpu.sync_copy(x_hbm.at[b], x_v)

        lane = lax.broadcasted_iota(jnp.int32, (NLANES,), 0)
        zeros = jnp.zeros((NLANES,), jnp.float32)
        ninf = jnp.full((NLANES,), NEG, jnp.float32)
        bigi = jnp.full((NLANES,), BIGI, jnp.int32)

        def bupdate(jj, bm, b0, b1):
            sel = lane == (jj & (NLANES - 1))
            lo_half = jj < NLANES
            b0 = jnp.where(sel & lo_half, bm, b0)
            b1 = jnp.where(sel & (~lo_half), bm, b1)
            return b0, b1

        def block_pass(j, carry):
            b0, b1 = carry

            acc = ninf
            for c in range(CHUNKS_PER_BLOCK):
                idx = j * BLOCK + c * NLANES + lane
                xc = plsc.load_gather(x_v, [idx])
                xm = plsc.load_gather(x_v, [jnp.maximum(idx - 1, 0)])
                xr = plsc.load_gather(x_v, [jnp.minimum(idx + 1, L - 1)])
                dl = xc - xm
                dr = xr - xc
                pos = xc > 0.0
                peak = pos & (dr <= 0.0) & (dl > 0.0)
                valley = (~pos) & (dr > 0.0) & (dl <= 0.0)
                v = jnp.where(peak | valley, jnp.abs(xc), NEG)
                plsc.store_scatter(vals_v, [idx], v)
                plsc.store_scatter(out_v, [idx], zeros)
                acc = jnp.maximum(acc, v)
            return bupdate(jnp.full((NLANES,), j, jnp.int32), jnp.max(acc), b0, b1)

        b0, b1 = lax.fori_loop(0, NBLOCKS, block_pass, (ninf, ninf))

        def greedy_cond(carry):
            m = carry[0]
            return m > NEG

        def greedy_body(carry):
            m, b0, b1 = carry
            f0 = plsc.all_reduce_ffs(b0 == m)
            f1 = plsc.all_reduce_ffs(b1 == m)
            j = jnp.where(f0 < NLANES, f0, f1 + NLANES)
            base0 = j << BLOCK_SHIFT

            cands = []
            for c in range(CHUNKS_PER_BLOCK):
                idx = base0 + c * NLANES + lane
                v = plsc.load_gather(vals_v, [idx])
                f = plsc.all_reduce_ffs(v == m)
                cands.append(jnp.where(f < NLANES, base0 + c * NLANES + f, bigi))
            while len(cands) > 1:
                cands = [
                    jnp.minimum(a, b) for a, b in zip(cands[::2], cands[1::2])
                ]
            p = cands[0]

            xp = plsc.load_gather(x_v, [p])
            plsc.store_scatter(out_v, [p], xp, mask=lane == 0)

            lo = jnp.maximum(p - MIN_DIST, 0)
            hi = jnp.minimum(p + MIN_DIST, L - 1)
            for k in range((2 * MIN_DIST) // NLANES + 1):
                sidx = lo + k * NLANES + lane
                plsc.store_scatter(
                    vals_v, [jnp.minimum(sidx, L - 1)], ninf, mask=sidx <= hi
                )

            ja = p >> BLOCK_SHIFT
            jb = (lo >> BLOCK_SHIFT) + (hi >> BLOCK_SHIFT) - ja
            basea = ja << BLOCK_SHIFT
            baseb = jb << BLOCK_SHIFT

            exa = lane == (ja & (NLANES - 1))
            exb = lane == (jb & (NLANES - 1))
            b0m = jnp.where((exa & (ja < NLANES)) | (exb & (jb < NLANES)), NEG, b0)
            b1m = jnp.where((exa & (ja >= NLANES)) | (exb & (jb >= NLANES)), NEG, b1)
            mpre = jnp.max(jnp.maximum(b0m, b1m))

            vas, vbs = [], []
            for c in range(CHUNKS_PER_BLOCK):
                off = c * NLANES + lane
                vas.append(plsc.load_gather(vals_v, [basea + off]))
                vbs.append(plsc.load_gather(vals_v, [baseb + off]))
            while len(vas) > 1:
                vas = [jnp.maximum(a, b) for a, b in zip(vas[::2], vas[1::2])]
                vbs = [jnp.maximum(a, b) for a, b in zip(vbs[::2], vbs[1::2])]
            bma = jnp.max(vas[0])
            bmb = jnp.max(vbs[0])
            b0, b1 = bupdate(ja, bma, b0, b1)
            b0, b1 = bupdate(jb, bmb, b0, b1)
            return jnp.maximum(jnp.maximum(mpre, bma), bmb), b0, b1

        m0 = jnp.max(jnp.maximum(b0, b1))
        lax.while_loop(greedy_cond, greedy_body, (m0, b0, b1))

        pltpu.sync_copy(out_v, out_hbm.at[b])


@jax.jit
def _nms(x):
    run = pl.kernel(
        _nms_body,
        out_type=jax.ShapeDtypeStruct((B, L), jnp.float32),
        mesh=plsc.VectorSubcoreMesh(core_axis_name="c", subcore_axis_name="s"),
        compiler_params=pltpu.CompilerParams(needs_layout_passes=False),
        scratch_types=[
            pltpu.VMEM((L,), jnp.float32),
            pltpu.VMEM((L,), jnp.float32),
            pltpu.VMEM((L,), jnp.float32),
        ],
    )
    return run(x)


def kernel(input_):
    return _nms(input_.reshape(B, L)).reshape(B, 1, L)

# --- scband reference (transcript-rebuilt; emitter-appended) ---
"""Pipeline reference for scband-extrema1-d-27504970563627 (READ-ONLY COPY).

The authoritative reference and input builder live on the scoring server;
editing this copy changes nothing except your own understanding.
"""

import jax, jax.numpy as jnp
import numpy as np

MIN_DIST = 32


def _primary_mask(x):
    # x: array [B, 1, L]. Returns bool mask [B, L] of primary extrema.
    B, _, L = x.shape
    dx = x[:, :, 1:] - x[:, :, :-1]
    dx_padright_greater = jnp.pad(dx, ((0, 0), (0, 0), (0, 1))) > 0
    dx_padleft_less = jnp.pad(dx, ((0, 0), (0, 0), (1, 0))) <= 0
    sign = (1 - jnp.sign(x)).astype(bool)
    valleys = dx_padright_greater & dx_padleft_less & sign
    peaks = (~dx_padright_greater) & (~dx_padleft_less) & (~sign)
    extrema = (peaks | valleys)[:, 0, :]  # [B, L]

    def per_batch(e_, xb):
        # Sort all L positions by descending magnitude; non-extrema get -inf
        # magnitude so they sort last, never act, and never become primary.
        vals = jnp.where(e_, jnp.abs(xb), -jnp.inf)
        idx_sorted = jnp.argsort(-vals)
        is_ext_sorted = e_[idx_sorted]

        def body(index_, extrema_is_secondary):
            extrema_index = idx_sorted[index_]
            act = is_ext_sorted[index_] & jnp.logical_not(
                extrema_is_secondary[index_]
            )
            r = idx_sorted >= extrema_index - MIN_DIST
            l = idx_sorted <= extrema_index + MIN_DIST
            m = r & l
            updated = (extrema_is_secondary | m).at[index_].set(False)
            return jnp.where(act, updated, extrema_is_secondary)

        extrema_is_secondary = jax.lax.fori_loop(
            0, L, body, jnp.zeros((L,), dtype=bool)
        )
        primary_sorted = jnp.logical_not(extrema_is_secondary) & is_ext_sorted
        return jnp.zeros((L,), dtype=bool).at[idx_sorted].set(primary_sorted)

    return jax.vmap(per_batch)(extrema, x[:, 0, :])


def setup_inputs(seed: int = 0) -> dict:
    key = jax.random.key(seed)
    input_ = jax.random.normal(key, (8, 1, 4096), dtype=jnp.float32)
    return {"input_": input_}


def reference(input_):
    # Greedy 1D extrema suppression: discrete selection computed in-graph,
    # output = input masked to primary extrema positions (zeros elsewhere),
    # exactly matching the torch module's extrema_primary tensor.
    mask = _primary_mask(input_)  # [B, L] bool
    mask_j = mask[:, None, :].astype(input_.dtype)
    return input_ * mask_j

if __name__ == "__main__":
    import jax
    _d = setup_inputs()
    print(jax.jit(kernel)(*tuple(_d.values())))

</pallas_src>

<mosaic_0001>
#map = affine_map<(d0, d1) -> (0, 0)>
module attributes {stable_mosaic.version = 14 : i64} {
  func.func @_nms_body(%arg0: i32, %arg1: i32, %arg2: memref<8x4096xf32, #tpu.memory_space<hbm>>, %arg3: memref<8x4096xf32, #tpu.memory_space<hbm>>, %arg4: memref<4096xf32, #tpu.memory_space<vmem>>, %arg5: memref<4096xf32, #tpu.memory_space<vmem>>, %arg6: memref<4096xf32, #tpu.memory_space<vmem>>) attributes {dimension_semantics = [#tpu.dimension_semantics<core_parallel>, #tpu.dimension_semantics<subcore_parallel>], iteration_bounds = array<i64: 2, 16>, scalar_prefetch = 0 : i64, scratch_operands = 3 : i64, tpu.core_type = #tpu.core_type<sc_vector_subcore>, window_params = [{transform_indices = #map}, {transform_indices = #map}]} {
    %mul3A = arith.constant 2 : i32
    %mul3A_0 = arith.muli %arg1, %mul3A : i32
    %add3A = arith.addi %mul3A_0, %arg0 : i32
    %lt3A = arith.constant 8 : i32
    %lt3A_1 = arith.cmpi slt, %add3A, %lt3A : i32
    %convert_element_type3A = arith.extui %lt3A_1 : i1 to i32
    %cond3A = arith.constant 0 : i32
    %cond3A_2 = arith.cmpi ne, %convert_element_type3A, %cond3A : i32
    scf.if %cond3A_2 {
      "tpu.region"() ({
        %run_scoped3A = tpu.sem_alloc : memref<!tpu.dma_semaphore, #tpu.memory_space<semaphore_mem>>
        %dma_start3A = arith.constant 0 : i32
        %dma_start3A_16 = tpu.memref_slice %arg2[%add3A, %dma_start3A] : memref<8x4096xf32, #tpu.memory_space<hbm>> -> memref<1x4096xf32, #tpu.memory_space<hbm>>
        %dma_start3A_17 = tpu.memref_squeeze %dma_start3A_16 : memref<1x4096xf32, #tpu.memory_space<hbm>> -> memref<4096xf32, #tpu.memory_space<hbm>>
        %dma_start3A_18 = arith.constant 0 : i32
        %dma_start3A_19 = tpu.memref_slice %arg2[%add3A, %dma_start3A_18] : memref<8x4096xf32, #tpu.memory_space<hbm>> -> memref<1x4096xf32, #tpu.memory_space<hbm>>
        %dma_start3A_20 = tpu.memref_squeeze %dma_start3A_19 : memref<1x4096xf32, #tpu.memory_space<hbm>> -> memref<4096xf32, #tpu.memory_space<hbm>>
        tpu.enqueue_dma source(%dma_start3A_20 : memref<4096xf32, #tpu.memory_space<hbm>>) target(%arg4 : memref<4096xf32, #tpu.memory_space<vmem>>) target_semaphore(%run_scoped3A : memref<!tpu.dma_semaphore, #tpu.memory_space<semaphore_mem>>)
        %dma_wait3A = arith.constant 0 : i32
        %dma_wait3A_21 = tpu.memref_slice %arg2[%add3A, %dma_wait3A] : memref<8x4096xf32, #tpu.memory_space<hbm>> -> memref<1x4096xf32, #tpu.memory_space<hbm>>
        %dma_wait3A_22 = tpu.memref_squeeze %dma_wait3A_21 : memref<1x4096xf32, #tpu.memory_space<hbm>> -> memref<4096xf32, #tpu.memory_space<hbm>>
        %dma_wait3A_23 = arith.constant 0 : i32
        %dma_wait3A_24 = tpu.memref_slice %arg2[%add3A, %dma_wait3A_23] : memref<8x4096xf32, #tpu.memory_space<hbm>> -> memref<1x4096xf32, #tpu.memory_space<hbm>>
        %dma_wait3A_25 = tpu.memref_squeeze %dma_wait3A_24 : memref<1x4096xf32, #tpu.memory_space<hbm>> -> memref<4096xf32, #tpu.memory_space<hbm>>
        tpu.wait_dma2 semaphore(%run_scoped3A : memref<!tpu.dma_semaphore, #tpu.memory_space<semaphore_mem>>) src(%dma_wait3A_25 : memref<4096xf32, #tpu.memory_space<hbm>>) dst(%arg4 : memref<4096xf32, #tpu.memory_space<vmem>>)
        tpu.yield
      }) : () -> ()
      %iota3A = tpu.iota {dimensions = array<i32: 0>} : vector<16xi32>
      %broadcast_in_dim3A = arith.constant 0.000000e+00 : f32
      %broadcast_in_dim3A_3 = vector.broadcast %broadcast_in_dim3A : f32 to vector<16xf32>
      %broadcast_in_dim3A_4 = arith.constant 0xFF800000 : f32
      %broadcast_in_dim3A_5 = vector.broadcast %broadcast_in_dim3A_4 : f32 to vector<16xf32>
      %broadcast_in_dim3A_6 = arith.constant 1073741824 : i32
      %broadcast_in_dim3A_7 = vector.broadcast %broadcast_in_dim3A_6 : i32 to vector<16xi32>
      %scan3A = arith.constant 0 : i32
      %scan3A_8 = arith.constant 32 : i32
      %scan3A_9 = arith.addi %scan3A, %scan3A_8 : i32
      %scan3A_10 = arith.constant 1 : i32
      %scan3A_11:2 = scf.for %scan3A_16 = %scan3A to %scan3A_9 step %scan3A_10 iter_args(%scan3A_17 = %broadcast_in_dim3A_5, %scan3A_18 = %broadcast_in_dim3A_5) -> (vector<16xf32>, vector<16xf32>)  : i32 {
        %mul3A_19 = arith.constant 128 : i32
        %mul3A_20 = arith.muli %scan3A_16, %mul3A_19 : i32
        %add3A_21 = arith.constant 0 : i32
        %add3A_22 = arith.addi %mul3A_20, %add3A_21 : i32
        %add3A_23 = vector.broadcast %add3A_22 : i32 to vector<16xi32>
        %add3A_24 = arith.addi %add3A_23, %iota3A : vector<16xi32>
        %gather3A = tpu.vector_load_idx %arg4[%add3A_24] : memref<4096xf32, #tpu.memory_space<vmem>>[vector<16xi32>], vector<16xf32>,
        %sub3A = arith.constant 1 : i32
        %sub3A_25 = vector.broadcast %sub3A : i32 to vector<16xi32>
        %sub3A_26 = arith.subi %add3A_24, %sub3A_25 : vector<16xi32>
        %max3A_27 = arith.constant 0 : i32
        %max3A_28 = vector.broadcast %max3A_27 : i32 to vector<16xi32>
        %max3A_29 = arith.maxsi %sub3A_26, %max3A_28 : vector<16xi32>
        %gather3A_30 = tpu.vector_load_idx %arg4[%max3A_29] : memref<4096xf32, #tpu.memory_space<vmem>>[vector<16xi32>], vector<16xf32>,
        %add3A_31 = arith.constant 1 : i32
        %add3A_32 = vector.broadcast %add3A_31 : i32 to vector<16xi32>
        %add3A_33 = arith.addi %add3A_24, %add3A_32 : vector<16xi32>
        %min3A = arith.constant 4095 : i32
        %min3A_34 = vector.broadcast %min3A : i32 to vector<16xi32>
        %min3A_35 = arith.minsi %add3A_33, %min3A_34 : vector<16xi32>
        %gather3A_36 = tpu.vector_load_idx %arg4[%min3A_35] : memref<4096xf32, #tpu.memory_space<vmem>>[vector<16xi32>], vector<16xf32>,
        %sub3A_37 = arith.subf %gather3A, %gather3A_30 : vector<16xf32>
        %sub3A_38 = arith.subf %gather3A_36, %gather3A : vector<16xf32>
        %gt3A = arith.constant 0.000000e+00 : f32
        %gt3A_39 = vector.broadcast %gt3A : f32 to vector<16xf32>
        %gt3A_40 = arith.cmpf ogt, %gather3A, %gt3A_39 : vector<16xf32>
        %le3A = arith.constant 0.000000e+00 : f32
        %le3A_41 = vector.broadcast %le3A : f32 to vector<16xf32>
        %le3A_42 = arith.cmpf ole, %sub3A_38, %le3A_41 : vector<16xf32>
        %and3A = arith.andi %gt3A_40, %le3A_42 : vector<16xi1>
        %gt3A_43 = arith.constant 0.000000e+00 : f32
        %gt3A_44 = vector.broadcast %gt3A_43 : f32 to vector<16xf32>
        %gt3A_45 = arith.cmpf ogt, %sub3A_37, %gt3A_44 : vector<16xf32>
        %and3A_46 = arith.andi %and3A, %gt3A_45 : vector<16xi1>
        %not3A = arith.constant dense<true> : vector<16xi1>
        %not3A_47 = arith.xori %gt3A_40, %not3A : vector<16xi1>
        %gt3A_48 = arith.constant 0.000000e+00 : f32
        %gt3A_49 = vector.broadcast %gt3A_48 : f32 to vector<16xf32>
        %gt3A_50 = arith.cmpf ogt, %sub3A_38, %gt3A_49 : vector<16xf32>
        %and3A_51 = arith.andi %not3A_47, %gt3A_50 : vector<16xi1>
        %le3A_52 = arith.constant 0.000000e+00 : f32
        %le3A_53 = vector.broadcast %le3A_52 : f32 to vector<16xf32>
        %le3A_54 = arith.cmpf ole, %sub3A_37, %le3A_53 : vector<16xf32>
        %and3A_55 = arith.andi %and3A_51, %le3A_54 : vector<16xi1>
        %or3A = arith.ori %and3A_46, %and3A_55 : vector<16xi1>
        %abs3A = math.absf %gather3A : vector<16xf32>
        %jit3A = arith.constant 0xFF800000 : f32
        %broadcast_in_dim3A_56 = vector.broadcast %jit3A : f32 to vector<16xf32>
        %select_n3A = arith.select %or3A, %abs3A, %broadcast_in_dim3A_56 : vector<16xi1>, vector<16xf32>
        tpu.vector_store_idx %arg5[%add3A_24], %select_n3A : memref<4096xf32, #tpu.memory_space<vmem>>[vector<16xi32>], vector<16xf32>,
        tpu.vector_store_idx %arg6[%add3A_24], %broadcast_in_dim3A_3 : memref<4096xf32, #tpu.memory_space<vmem>>[vector<16xi32>], vector<16xf32>,
        %max3A_57 = arith.maximumf %broadcast_in_dim3A_5, %select_n3A : vector<16xf32>
        %mul3A_58 = arith.constant 128 : i32
        %mul3A_59 = arith.muli %scan3A_16, %mul3A_58 : i32
        %add3A_60 = arith.constant 16 : i32
        %add3A_61 = arith.addi %mul3A_59, %add3A_60 : i32
        %add3A_62 = vector.broadcast %add3A_61 : i32 to vector<16xi32>
        %add3A_63 = arith.addi %add3A_62, %iota3A : vector<16xi32>
        %gather3A_64 = tpu.vector_load_idx %arg4[%add3A_63] : memref<4096xf32, #tpu.memory_space<vmem>>[vector<16xi32>], vector<16xf32>,
        %sub3A_65 = arith.constant 1 : i32
        %sub3A_66 = vector.broadcast %sub3A_65 : i32 to vector<16xi32>
        %sub3A_67 = arith.subi %add3A_63, %sub3A_66 : vector<16xi32>
        %max3A_68 = arith.constant 0 : i32
        %max3A_69 = vector.broadcast %max3A_68 : i32 to vector<16xi32>
        %max3A_70 = arith.maxsi %sub3A_67, %max3A_69 : vector<16xi32>
        %gather3A_71 = tpu.vector_load_idx %arg4[%max3A_70] : memref<4096xf32, #tpu.memory_space<vmem>>[vector<16xi32>], vector<16xf32>,
        %add3A_72 = arith.constant 1 : i32
        %add3A_73 = vector.broadcast %add3A_72 : i32 to vector<16xi32>
        %add3A_74 = arith.addi %add3A_63, %add3A_73 : vector<16xi32>
        %min3A_75 = arith.constant 4095 : i32
        %min3A_76 = vector.broadcast %min3A_75 : i32 to vector<16xi32>
        %min3A_77 = arith.minsi %add3A_74, %min3A_76 : vector<16xi32>
        %gather3A_78 = tpu.vector_load_idx %arg4[%min3A_77] : memref<4096xf32, #tpu.memory_space<vmem>>[vector<16xi32>], vector<16xf32>,
        %sub3A_79 = arith.subf %gather3A_64, %gather3A_71 : vector<16xf32>
        %sub3A_80 = arith.subf %gather3A_78, %gather3A_64 : vector<16xf32>
        %gt3A_81 = arith.constant 0.000000e+00 : f32
        %gt3A_82 = vector.broadcast %gt3A_81 : f32 to vector<16xf32>
        %gt3A_83 = arith.cmpf ogt, %gather3A_64, %gt3A_82 : vector<16xf32>
        %le3A_84 = arith.constant 0.000000e+00 : f32
        %le3A_85 = vector.broadcast %le3A_84 : f32 to vector<16xf32>
        %le3A_86 = arith.cmpf ole, %sub3A_80, %le3A_85 : vector<16xf32>
        %and3A_87 = arith.andi %gt3A_83, %le3A_86 : vector<16xi1>
        %gt3A_88 = arith.constant 0.000000e+00 : f32
        %gt3A_89 = vector.broadcast %gt3A_88 : f32 to vector<16xf32>
        %gt3A_90 = arith.cmpf ogt, %sub3A_79, %gt3A_89 : vector<16xf32>
        %and3A_91 = arith.andi %and3A_87, %gt3A_90 : vector<16xi1>
        %not3A_92 = arith.constant dense<true> : vector<16xi1>
        %not3A_93 = arith.xori %gt3A_83, %not3A_92 : vector<16xi1>
        %gt3A_94 = arith.constant 0.000000e+00 : f32
        %gt3A_95 = vector.broadcast %gt3A_94 : f32 to vector<16xf32>
        %gt3A_96 = arith.cmpf ogt, %sub3A_80, %gt3A_95 : vector<16xf32>
        %and3A_97 = arith.andi %not3A_93, %gt3A_96 : vector<16xi1>
        %le3A_98 = arith.constant 0.000000e+00 : f32
        %le3A_99 = vector.broadcast %le3A_98 : f32 to vector<16xf32>
        %le3A_100 = arith.cmpf ole, %sub3A_79, %le3A_99 : vector<16xf32>
        %and3A_101 = arith.andi %and3A_97, %le3A_100 : vector<16xi1>
        %or3A_102 = arith.ori %and3A_91, %and3A_101 : vector<16xi1>
        %abs3A_103 = math.absf %gather3A_64 : vector<16xf32>
        %jit3A_104 = arith.constant 0xFF800000 : f32
        %broadcast_in_dim3A_105 = vector.broadcast %jit3A_104 : f32 to vector<16xf32>
        %select_n3A_106 = arith.select %or3A_102, %abs3A_103, %broadcast_in_dim3A_105 : vector<16xi1>, vector<16xf32>
        tpu.vector_store_idx %arg5[%add3A_63], %select_n3A_106 : memref<4096xf32, #tpu.memory_space<vmem>>[vector<16xi32>], vector<16xf32>,
        tpu.vector_store_idx %arg6[%add3A_63], %broadcast_in_dim3A_3 : memref<4096xf32, #tpu.memory_space<vmem>>[vector<16xi32>], vector<16xf32>,
        %max3A_107 = arith.maximumf %max3A_57, %select_n3A_106 : vector<16xf32>
        %mul3A_108 = arith.constant 128 : i32
        %mul3A_109 = arith.muli %scan3A_16, %mul3A_108 : i32
        %add3A_110 = arith.constant 32 : i32
        %add3A_111 = arith.addi %mul3A_109, %add3A_110 : i32
        %add3A_112 = vector.broadcast %add3A_111 : i32 to vector<16xi32>
        %add3A_113 = arith.addi %add3A_112, %iota3A : vector<16xi32>
        %gather3A_114 = tpu.vector_load_idx %arg4[%add3A_113] : memref<4096xf32, #tpu.memory_space<vmem>>[vector<16xi32>], vector<16xf32>,
        %sub3A_115 = arith.constant 1 : i32
        %sub3A_116 = vector.broadcast %sub3A_115 : i32 to vector<16xi32>
        %sub3A_117 = arith.subi %add3A_113, %sub3A_116 : vector<16xi32>
        %max3A_118 = arith.constant 0 : i32
        %max3A_119 = vector.broadcast %max3A_118 : i32 to vector<16xi32>
        %max3A_120 = arith.maxsi %sub3A_117, %max3A_119 : vector<16xi32>
        %gather3A_121 = tpu.vector_load_idx %arg4[%max3A_120] : memref<4096xf32, #tpu.memory_space<vmem>>[vector<16xi32>], vector<16xf32>,
        %add3A_122 = arith.constant 1 : i32
        %add3A_123 = vector.broadcast %add3A_122 : i32 to vector<16xi32>
        %add3A_124 = arith.addi %add3A_113, %add3A_123 : vector<16xi32>
        %min3A_125 = arith.constant 4095 : i32
        %min3A_126 = vector.broadcast %min3A_125 : i32 to vector<16xi32>
        %min3A_127 = arith.minsi %add3A_124, %min3A_126 : vector<16xi32>
        %gather3A_128 = tpu.vector_load_idx %arg4[%min3A_127] : memref<4096xf32, #tpu.memory_space<vmem>>[vector<16xi32>], vector<16xf32>,
        %sub3A_129 = arith.subf %gather3A_114, %gather3A_121 : vector<16xf32>
        %sub3A_130 = arith.subf %gather3A_128, %gather3A_114 : vector<16xf32>
        %gt3A_131 = arith.constant 0.000000e+00 : f32
        %gt3A_132 = vector.broadcast %gt3A_131 : f32 to vector<16xf32>
        %gt3A_133 = arith.cmpf ogt, %gather3A_114, %gt3A_132 : vector<16xf32>
        %le3A_134 = arith.constant 0.000000e+00 : f32
        %le3A_135 = vector.broadcast %le3A_134 : f32 to vector<16xf32>
        %le3A_136 = arith.cmpf ole, %sub3A_130, %le3A_135 : vector<16xf32>
        %and3A_137 = arith.andi %gt3A_133, %le3A_136 : vector<16xi1>
        %gt3A_138 = arith.constant 0.000000e+00 : f32
        %gt3A_139 = vector.broadcast %gt3A_138 : f32 to vector<16xf32>
        %gt3A_140 = arith.cmpf ogt, %sub3A_129, %gt3A_139 : vector<16xf32>
        %and3A_141 = arith.andi %and3A_137, %gt3A_140 : vector<16xi1>
        %not3A_142 = arith.constant dense<true> : vector<16xi1>
        %not3A_143 = arith.xori %gt3A_133, %not3A_142 : vector<16xi1>
        %gt3A_144 = arith.constant 0.000000e+00 : f32
        %gt3A_145 = vector.broadcast %gt3A_144 : f32 to vector<16xf32>
        %gt3A_146 = arith.cmpf ogt, %sub3A_130, %gt3A_145 : vector<16xf32>
        %and3A_147 = arith.andi %not3A_143, %gt3A_146 : vector<16xi1>
        %le3A_148 = arith.constant 0.000000e+00 : f32
        %le3A_149 = vector.broadcast %le3A_148 : f32 to vector<16xf32>
        %le3A_150 = arith.cmpf ole, %sub3A_129, %le3A_149 : vector<16xf32>
        %and3A_151 = arith.andi %and3A_147, %le3A_150 : vector<16xi1>
        %or3A_152 = arith.ori %and3A_141, %and3A_151 : vector<16xi1>
        %abs3A_153 = math.absf %gather3A_114 : vector<16xf32>
        %jit3A_154 = arith.constant 0xFF800000 : f32
        %broadcast_in_dim3A_155 = vector.broadcast %jit3A_154 : f32 to vector<16xf32>
        %select_n3A_156 = arith.select %or3A_152, %abs3A_153, %broadcast_in_dim3A_155 : vector<16xi1>, vector<16xf32>
        tpu.vector_store_idx %arg5[%add3A_113], %select_n3A_156 : memref<4096xf32, #tpu.memory_space<vmem>>[vector<16xi32>], vector<16xf32>,
        tpu.vector_store_idx %arg6[%add3A_113], %broadcast_in_dim3A_3 : memref<4096xf32, #tpu.memory_space<vmem>>[vector<16xi32>], vector<16xf32>,
        %max3A_157 = arith.maximumf %max3A_107, %select_n3A_156 : vector<16xf32>
        %mul3A_158 = arith.constant 128 : i32
        %mul3A_159 = arith.muli %scan3A_16, %mul3A_158 : i32
        %add3A_160 = arith.constant 48 : i32
        %add3A_161 = arith.addi %mul3A_159, %add3A_160 : i32
        %add3A_162 = vector.broadcast %add3A_161 : i32 to vector<16xi32>
        %add3A_163 = arith.addi %add3A_162, %iota3A : vector<16xi32>
        %gather3A_164 = tpu.vector_load_idx %arg4[%add3A_163] : memref<4096xf32, #tpu.memory_space<vmem>>[vector<16xi32>], vector<16xf32>,
        %sub3A_165 = arith.constant 1 : i32
        %sub3A_166 = vector.broadcast %sub3A_165 : i32 to vector<16xi32>
        %sub3A_167 = arith.subi %add3A_163, %sub3A_166 : vector<16xi32>
        %max3A_168 = arith.constant 0 : i32
        %max3A_169 = vector.broadcast %max3A_168 : i32 to vector<16xi32>
        %max3A_170 = arith.maxsi %sub3A_167, %max3A_169 : vector<16xi32>
        %gather3A_171 = tpu.vector_load_idx %arg4[%max3A_170] : memref<4096xf32, #tpu.memory_space<vmem>>[vector<16xi32>], vector<16xf32>,
        %add3A_172 = arith.constant 1 : i32
        %add3A_173 = vector.broadcast %add3A_172 : i32 to vector<16xi32>
        %add3A_174 = arith.addi %add3A_163, %add3A_173 : vector<16xi32>
        %min3A_175 = arith.constant 4095 : i32
        %min3A_176 = vector.broadcast %min3A_175 : i32 to vector<16xi32>
        %min3A_177 = arith.minsi %add3A_174, %min3A_176 : vector<16xi32>
        %gather3A_178 = tpu.vector_load_idx %arg4[%min3A_177] : memref<4096xf32, #tpu.memory_space<vmem>>[vector<16xi32>], vector<16xf32>,
        %sub3A_179 = arith.subf %gather3A_164, %gather3A_171 : vector<16xf32>
        %sub3A_180 = arith.subf %gather3A_178, %gather3A_164 : vector<16xf32>
        %gt3A_181 = arith.constant 0.000000e+00 : f32
        %gt3A_182 = vector.broadcast %gt3A_181 : f32 to vector<16xf32>
        %gt3A_183 = arith.cmpf ogt, %gather3A_164, %gt3A_182 : vector<16xf32>
        %le3A_184 = arith.constant 0.000000e+00 : f32
        %le3A_185 = vector.broadcast %le3A_184 : f32 to vector<16xf32>
        %le3A_186 = arith.cmpf ole, %sub3A_180, %le3A_185 : vector<16xf32>
        %and3A_187 = arith.andi %gt3A_183, %le3A_186 : vector<16xi1>
        %gt3A_188 = arith.constant 0.000000e+00 : f32
        %gt3A_189 = vector.broadcast %gt3A_188 : f32 to vector<16xf32>
        %gt3A_190 = arith.cmpf ogt, %sub3A_179, %gt3A_189 : vector<16xf32>
        %and3A_191 = arith.andi %and3A_187, %gt3A_190 : vector<16xi1>
        %not3A_192 = arith.constant dense<true> : vector<16xi1>
        %not3A_193 = arith.xori %gt3A_183, %not3A_192 : vector<16xi1>
        %gt3A_194 = arith.constant 0.000000e+00 : f32
        %gt3A_195 = vector.broadcast %gt3A_194 : f32 to vector<16xf32>
        %gt3A_196 = arith.cmpf ogt, %sub3A_180, %gt3A_195 : vector<16xf32>
        %and3A_197 = arith.andi %not3A_193, %gt3A_196 : vector<16xi1>
        %le3A_198 = arith.constant 0.000000e+00 : f32
        %le3A_199 = vector.broadcast %le3A_198 : f32 to vector<16xf32>
        %le3A_200 = arith.cmpf ole, %sub3A_179, %le3A_199 : vector<16xf32>
        %and3A_201 = arith.andi %and3A_197, %le3A_200 : vector<16xi1>
        %or3A_202 = arith.ori %and3A_191, %and3A_201 : vector<16xi1>
        %abs3A_203 = math.absf %gather3A_164 : vector<16xf32>
        %jit3A_204 = arith.constant 0xFF800000 : f32
        %broadcast_in_dim3A_205 = vector.broadcast %jit3A_204 : f32 to vector<16xf32>
        %select_n3A_206 = arith.select %or3A_202, %abs3A_203, %broadcast_in_dim3A_205 : vector<16xi1>, vector<16xf32>
        tpu.vector_store_idx %arg5[%add3A_163], %select_n3A_206 : memref<4096xf32, #tpu.memory_space<vmem>>[vector<16xi32>], vector<16xf32>,
        tpu.vector_store_idx %arg6[%add3A_163], %broadcast_in_dim3A_3 : memref<4096xf32, #tpu.memory_space<vmem>>[vector<16xi32>], vector<16xf32>,
        %max3A_207 = arith.maximumf %max3A_157, %select_n3A_206 : vector<16xf32>
        %mul3A_208 = arith.constant 128 : i32
        %mul3A_209 = arith.muli %scan3A_16, %mul3A_208 : i32
        %add3A_210 = arith.constant 64 : i32
        %add3A_211 = arith.addi %mul3A_209, %add3A_210 : i32
        %add3A_212 = vector.broadcast %add3A_211 : i32 to vector<16xi32>
        %add3A_213 = arith.addi %add3A_212, %iota3A : vector<16xi32>
        %gather3A_214 = tpu.vector_load_idx %arg4[%add3A_213] : memref<4096xf32, #tpu.memory_space<vmem>>[vector<16xi32>], vector<16xf32>,
        %sub3A_215 = arith.constant 1 : i32
        %sub3A_216 = vector.broadcast %sub3A_215 : i32 to vector<16xi32>
        %sub3A_217 = arith.subi %add3A_213, %sub3A_216 : vector<16xi32>
        %max3A_218 = arith.constant 0 : i32
        %max3A_219 = vector.broadcast %max3A_218 : i32 to vector<16xi32>
        %max3A_220 = arith.maxsi %sub3A_217, %max3A_219 : vector<16xi32>
        %gather3A_221 = tpu.vector_load_idx %arg4[%max3A_220] : memref<4096xf32, #tpu.memory_space<vmem>>[vector<16xi32>], vector<16xf32>,
        %add3A_222 = arith.constant 1 : i32
        %add3A_223 = vector.broadcast %add3A_222 : i32 to vector<16xi32>
        %add3A_224 = arith.addi %add3A_213, %add3A_223 : vector<16xi32>
        %min3A_225 = arith.constant 4095 : i32
        %min3A_226 = vector.broadcast %min3A_225 : i32 to vector<16xi32>
        %min3A_227 = arith.minsi %add3A_224, %min3A_226 : vector<16xi32>
        %gather3A_228 = tpu.vector_load_idx %arg4[%min3A_227] : memref<4096xf32, #tpu.memory_space<vmem>>[vector<16xi32>], vector<16xf32>,
        %sub3A_229 = arith.subf %gather3A_214, %gather3A_221 : vector<16xf32>
        %sub3A_230 = arith.subf %gather3A_228, %gather3A_214 : vector<16xf32>
        %gt3A_231 = arith.constant 0.000000e+00 : f32
        %gt3A_232 = vector.broadcast %gt3A_231 : f32 to vector<16xf32>
        %gt3A_233 = arith.cmpf ogt, %gather3A_214, %gt3A_232 : vector<16xf32>
        %le3A_234 = arith.constant 0.000000e+00 : f32
        %le3A_235 = vector.broadcast %le3A_234 : f32 to vector<16xf32>
        %le3A_236 = arith.cmpf ole, %sub3A_230, %le3A_235 : vector<16xf32>
        %and3A_237 = arith.andi %gt3A_233, %le3A_236 : vector<16xi1>
        %gt3A_238 = arith.constant 0.000000e+00 : f32
        %gt3A_239 = vector.broadcast %gt3A_238 : f32 to vector<16xf32>
        %gt3A_240 = arith.cmpf ogt, %sub3A_229, %gt3A_239 : vector<16xf32>
        %and3A_241 = arith.andi %and3A_237, %gt3A_240 : vector<16xi1>
        %not3A_242 = arith.constant dense<true> : vector<16xi1>
        %not3A_243 = arith.xori %gt3A_233, %not3A_242 : vector<16xi1>
        %gt3A_244 = arith.constant 0.000000e+00 : f32
        %gt3A_245 = vector.broadcast %gt3A_244 : f32 to vector<16xf32>
        %gt3A_246 = arith.cmpf ogt, %sub3A_230, %gt3A_245 : vector<16xf32>
        %and3A_247 = arith.andi %not3A_243, %gt3A_246 : vector<16xi1>
        %le3A_248 = arith.constant 0.000000e+00 : f32
        %le3A_249 = vector.broadcast %le3A_248 : f32 to vector<16xf32>
        %le3A_250 = arith.cmpf ole, %sub3A_229, %le3A_249 : vector<16xf32>
        %and3A_251 = arith.andi %and3A_247, %le3A_250 : vector<16xi1>
        %or3A_252 = arith.ori %and3A_241, %and3A_251 : vector<16xi1>
        %abs3A_253 = math.absf %gather3A_214 : vector<16xf32>
        %jit3A_254 = arith.constant 0xFF800000 : f32
        %broadcast_in_dim3A_255 = vector.broadcast %jit3A_254 : f32 to vector<16xf32>
        %select_n3A_256 = arith.select %or3A_252, %abs3A_253, %broadcast_in_dim3A_255 : vector<16xi1>, vector<16xf32>
        tpu.vector_store_idx %arg5[%add3A_213], %select_n3A_256 : memref<4096xf32, #tpu.memory_space<vmem>>[vector<16xi32>], vector<16xf32>,
        tpu.vector_store_idx %arg6[%add3A_213], %broadcast_in_dim3A_3 : memref<4096xf32, #tpu.memory_space<vmem>>[vector<16xi32>], vector<16xf32>,
        %max3A_257 = arith.maximumf %max3A_207, %select_n3A_256 : vector<16xf32>
        %mul3A_258 = arith.constant 128 : i32
        %mul3A_259 = arith.muli %scan3A_16, %mul3A_258 : i32
        %add3A_260 = arith.constant 80 : i32
        %add3A_261 = arith.addi %mul3A_259, %add3A_260 : i32
        %add3A_262 = vector.broadcast %add3A_261 : i32 to vector<16xi32>
        %add3A_263 = arith.addi %add3A_262, %iota3A : vector<16xi32>
        %gather3A_264 = tpu.vector_load_idx %arg4[%add3A_263] : memref<4096xf32, #tpu.memory_space<vmem>>[vector<16xi32>], vector<16xf32>,
        %sub3A_265 = arith.constant 1 : i32
        %sub3A_266 = vector.broadcast %sub3A_265 : i32 to vector<16xi32>
        %sub3A_267 = arith.subi %add3A_263, %sub3A_266 : vector<16xi32>
        %max3A_268 = arith.constant 0 : i32
        %max3A_269 = vector.broadcast %max3A_268 : i32 to vector<16xi32>
        %max3A_270 = arith.maxsi %sub3A_267, %max3A_269 : vector<16xi32>
        %gather3A_271 = tpu.vector_load_idx %arg4[%max3A_270] : memref<4096xf32, #tpu.memory_space<vmem>>[vector<16xi32>], vector<16xf32>,
        %add3A_272 = arith.constant 1 : i32
        %add3A_273 = vector.broadcast %add3A_272 : i32 to vector<16xi32>
        %add3A_274 = arith.addi %add3A_263, %add3A_273 : vector<16xi32>
        %min3A_275 = arith.constant 4095 : i32
        %min3A_276 = vector.broadcast %min3A_275 : i32 to vector<16xi32>
        %min3A_277 = arith.minsi %add3A_274, %min3A_276 : vector<16xi32>
        %gather3A_278 = tpu.vector_load_idx %arg4[%min3A_277] : memref<4096xf32, #tpu.memory_space<vmem>>[vector<16xi32>], vector<16xf32>,
        %sub3A_279 = arith.subf %gather3A_264, %gather3A_271 : vector<16xf32>
        %sub3A_280 = arith.subf %gather3A_278, %gather3A_264 : vector<16xf32>
        %gt3A_281 = arith.constant 0.000000e+00 : f32
        %gt3A_282 = vector.broadcast %gt3A_281 : f32 to vector<16xf32>
        %gt3A_283 = arith.cmpf ogt, %gather3A_264, %gt3A_282 : vector<16xf32>
        %le3A_284 = arith.constant 0.000000e+00 : f32
        %le3A_285 = vector.broadcast %le3A_284 : f32 to vector<16xf32>
        %le3A_286 = arith.cmpf ole, %sub3A_280, %le3A_285 : vector<16xf32>
        %and3A_287 = arith.andi %gt3A_283, %le3A_286 : vector<16xi1>
        %gt3A_288 = arith.constant 0.000000e+00 : f32
        %gt3A_289 = vector.broadcast %gt3A_288 : f32 to vector<16xf32>
        %gt3A_290 = arith.cmpf ogt, %sub3A_279, %gt3A_289 : vector<16xf32>
        %and3A_291 = arith.andi %and3A_287, %gt3A_290 : vector<16xi1>
        %not3A_292 = arith.constant dense<true> : vector<16xi1>
        %not3A_293 = arith.xori %gt3A_283, %not3A_292 : vector<16xi1>
        %gt3A_294 = arith.constant 0.000000e+00 : f32
        %gt3A_295 = vector.broadcast %gt3A_294 : f32 to vector<16xf32>
        %gt3A_296 = arith.cmpf ogt, %sub3A_280, %gt3A_295 : vector<16xf32>
        %and3A_297 = arith.andi %not3A_293, %gt3A_296 : vector<16xi1>
        %le3A_298 = arith.constant 0.000000e+00 : f32
        %le3A_299 = vector.broadcast %le3A_298 : f32 to vector<16xf32>
        %le3A_300 = arith.cmpf ole, %sub3A_279, %le3A_299 : vector<16xf32>
        %and3A_301 = arith.andi %and3A_297, %le3A_300 : vector<16xi1>
        %or3A_302 = arith.ori %and3A_291, %and3A_301 : vector<16xi1>
        %abs3A_303 = math.absf %gather3A_264 : vector<16xf32>
        %jit3A_304 = arith.constant 0xFF800000 : f32
        %broadcast_in_dim3A_305 = vector.broadcast %jit3A_304 : f32 to vector<16xf32>
        %select_n3A_306 = arith.select %or3A_302, %abs3A_303, %broadcast_in_dim3A_305 : vector<16xi1>, vector<16xf32>
        tpu.vector_store_idx %arg5[%add3A_263], %select_n3A_306 : memref<4096xf32, #tpu.memory_space<vmem>>[vector<16xi32>], vector<16xf32>,
        tpu.vector_store_idx %arg6[%add3A_263], %broadcast_in_dim3A_3 : memref<4096xf32, #tpu.memory_space<vmem>>[vector<16xi32>], vector<16xf32>,
        %max3A_307 = arith.maximumf %max3A_257, %select_n3A_306 : vector<16xf32>
        %mul3A_308 = arith.constant 128 : i32
        %mul3A_309 = arith.muli %scan3A_16, %mul3A_308 : i32
        %add3A_310 = arith.constant 96 : i32
        %add3A_311 = arith.addi %mul3A_309, %add3A_310 : i32
        %add3A_312 = vector.broadcast %add3A_311 : i32 to vector<16xi32>
        %add3A_313 = arith.addi %add3A_312, %iota3A : vector<16xi32>
        %gather3A_314 = tpu.vector_load_idx %arg4[%add3A_313] : memref<4096xf32, #tpu.memory_space<vmem>>[vector<16xi32>], vector<16xf32>,
        %sub3A_315 = arith.constant 1 : i32
        %sub3A_316 = vector.broadcast %sub3A_315 : i32 to vector<16xi32>
        %sub3A_317 = arith.subi %add3A_313, %sub3A_316 : vector<16xi32>
        %max3A_318 = arith.constant 0 : i32
        %max3A_319 = vector.broadcast %max3A_318 : i32 to vector<16xi32>
        %max3A_320 = arith.maxsi %sub3A_317, %max3A_319 : vector<16xi32>
        %gather3A_321 = tpu.vector_load_idx %arg4[%max3A_320] : memref<4096xf32, #tpu.memory_space<vmem>>[vector<16xi32>], vector<16xf32>,
        %add3A_322 = arith.constant 1 : i32
        %add3A_323 = vector.broadcast %add3A_322 : i32 to vector<16xi32>
        %add3A_324 = arith.addi %add3A_313, %add3A_323 : vector<16xi32>
        %min3A_325 = arith.constant 4095 : i32
        %min3A_326 = vector.broadcast %min3A_325 : i32 to vector<16xi32>
        %min3A_327 = arith.minsi %add3A_324, %min3A_326 : vector<16xi32>
        %gather3A_328 = tpu.vector_load_idx %arg4[%min3A_327] : memref<4096xf32, #tpu.memory_space<vmem>>[vector<16xi32>], vector<16xf32>,
        %sub3A_329 = arith.subf %gather3A_314, %gather3A_321 : vector<16xf32>
        %sub3A_330 = arith.subf %gather3A_328, %gather3A_314 : vector<16xf32>
        %gt3A_331 = arith.constant 0.000000e+00 : f32
        %gt3A_332 = vector.broadcast %gt3A_331 : f32 to vector<16xf32>
        %gt3A_333 = arith.cmpf ogt, %gather3A_314, %gt3A_332 : vector<16xf32>
        %le3A_334 = arith.constant 0.000000e+00 : f32
        %le3A_335 = vector.broadcast %le3A_334 : f32 to vector<16xf32>
        %le3A_336 = arith.cmpf ole, %sub3A_330, %le3A_335 : vector<16xf32>
        %and3A_337 = arith.andi %gt3A_333, %le3A_336 : vector<16xi1>
        %gt3A_338 = arith.constant 0.000000e+00 : f32
        %gt3A_339 = vector.broadcast %gt3A_338 : f32 to vector<16xf32>
        %gt3A_340 = arith.cmpf ogt, %sub3A_329, %gt3A_339 : vector<16xf32>
        %and3A_341 = arith.andi %and3A_337, %gt3A_340 : vector<16xi1>
        %not3A_342 = arith.constant dense<true> : vector<16xi1>
        %not3A_343 = arith.xori %gt3A_333, %not3A_342 : vector<16xi1>
        %gt3A_344 = arith.constant 0.000000e+00 : f32
        %gt3A_345 = vector.broadcast %gt3A_344 : f32 to vector<16xf32>
        %gt3A_346 = arith.cmpf ogt, %sub3A_330, %gt3A_345 : vector<16xf32>
        %and3A_347 = arith.andi %not3A_343, %gt3A_346 : vector<16xi1>
        %le3A_348 = arith.constant 0.000000e+00 : f32
        %le3A_349 = vector.broadcast %le3A_348 : f32 to vector<16xf32>
        %le3A_350 = arith.cmpf ole, %sub3A_329, %le3A_349 : vector<16xf32>
        %and3A_351 = arith.andi %and3A_347, %le3A_350 : vector<16xi1>
        %or3A_352 = arith.ori %and3A_341, %and3A_351 : vector<16xi1>
        %abs3A_353 = math.absf %gather3A_314 : vector<16xf32>
        %jit3A_354 = arith.constant 0xFF800000 : f32
        %broadcast_in_dim3A_355 = vector.broadcast %jit3A_354 : f32 to vector<16xf32>
        %select_n3A_356 = arith.select %or3A_352, %abs3A_353, %broadcast_in_dim3A_355 : vector<16xi1>, vector<16xf32>
        tpu.vector_store_idx %arg5[%add3A_313], %select_n3A_356 : memref<4096xf32, #tpu.memory_space<vmem>>[vector<16xi32>], vector<16xf32>,
        tpu.vector_store_idx %arg6[%add3A_313], %broadcast_in_dim3A_3 : memref<4096xf32, #tpu.memory_space<vmem>>[vector<16xi32>], vector<16xf32>,
        %max3A_357 = arith.maximumf %max3A_307, %select_n3A_356 : vector<16xf32>
        %mul3A_358 = arith.constant 128 : i32
        %mul3A_359 = arith.muli %scan3A_16, %mul3A_358 : i32
        %add3A_360 = arith.constant 112 : i32
        %add3A_361 = arith.addi %mul3A_359, %add3A_360 : i32
        %add3A_362 = vector.broadcast %add3A_361 : i32 to vector<16xi32>
        %add3A_363 = arith.addi %add3A_362, %iota3A : vector<16xi32>
        %gather3A_364 = tpu.vector_load_idx %arg4[%add3A_363] : memref<4096xf32, #tpu.memory_space<vmem>>[vector<16xi32>], vector<16xf32>,
        %sub3A_365 = arith.constant 1 : i32
        %sub3A_366 = vector.broadcast %sub3A_365 : i32 to vector<16xi32>
        %sub3A_367 = arith.subi %add3A_363, %sub3A_366 : vector<16xi32>
        %max3A_368 = arith.constant 0 : i32
        %max3A_369 = vector.broadcast %max3A_368 : i32 to vector<16xi32>
        %max3A_370 = arith.maxsi %sub3A_367, %max3A_369 : vector<16xi32>
        %gather3A_371 = tpu.vector_load_idx %arg4[%max3A_370] : memref<4096xf32, #tpu.memory_space<vmem>>[vector<16xi32>], vector<16xf32>,
        %add3A_372 = arith.constant 1 : i32
        %add3A_373 = vector.broadcast %add3A_372 : i32 to vector<16xi32>
        %add3A_374 = arith.addi %add3A_363, %add3A_373 : vector<16xi32>
        %min3A_375 = arith.constant 4095 : i32
        %min3A_376 = vector.broadcast %min3A_375 : i32 to vector<16xi32>
        %min3A_377 = arith.minsi %add3A_374, %min3A_376 : vector<16xi32>
        %gather3A_378 = tpu.vector_load_idx %arg4[%min3A_377] : memref<4096xf32, #tpu.memory_space<vmem>>[vector<16xi32>], vector<16xf32>,
        %sub3A_379 = arith.subf %gather3A_364, %gather3A_371 : vector<16xf32>
        %sub3A_380 = arith.subf %gather3A_378, %gather3A_364 : vector<16xf32>
        %gt3A_381 = arith.constant 0.000000e+00 : f32
        %gt3A_382 = vector.broadcast %gt3A_381 : f32 to vector<16xf32>
        %gt3A_383 = arith.cmpf ogt, %gather3A_364, %gt3A_382 : vector<16xf32>
        %le3A_384 = arith.constant 0.000000e+00 : f32
        %le3A_385 = vector.broadcast %le3A_384 : f32 to vector<16xf32>
        %le3A_386 = arith.cmpf ole, %sub3A_380, %le3A_385 : vector<16xf32>
        %and3A_387 = arith.andi %gt3A_383, %le3A_386 : vector<16xi1>
        %gt3A_388 = arith.constant 0.000000e+00 : f32
        %gt3A_389 = vector.broadcast %gt3A_388 : f32 to vector<16xf32>
        %gt3A_390 = arith.cmpf ogt, %sub3A_379, %gt3A_389 : vector<16xf32>
        %and3A_391 = arith.andi %and3A_387, %gt3A_390 : vector<16xi1>
        %not3A_392 = arith.constant dense<true> : vector<16xi1>
        %not3A_393 = arith.xori %gt3A_383, %not3A_392 : vector<16xi1>
        %gt3A_394 = arith.constant 0.000000e+00 : f32
        %gt3A_395 = vector.broadcast %gt3A_394 : f32 to vector<16xf32>
        %gt3A_396 = arith.cmpf ogt, %sub3A_380, %gt3A_395 : vector<16xf32>
        %and3A_397 = arith.andi %not3A_393, %gt3A_396 : vector<16xi1>
        %le3A_398 = arith.constant 0.000000e+00 : f32
        %le3A_399 = vector.broadcast %le3A_398 : f32 to vector<16xf32>
        %le3A_400 = arith.cmpf ole, %sub3A_379, %le3A_399 : vector<16xf32>
        %and3A_401 = arith.andi %and3A_397, %le3A_400 : vector<16xi1>
        %or3A_402 = arith.ori %and3A_391, %and3A_401 : vector<16xi1>
        %abs3A_403 = math.absf %gather3A_364 : vector<16xf32>
        %jit3A_404 = arith.constant 0xFF800000 : f32
        %broadcast_in_dim3A_405 = vector.broadcast %jit3A_404 : f32 to vector<16xf32>
        %select_n3A_406 = arith.select %or3A_402, %abs3A_403, %broadcast_in_dim3A_405 : vector<16xi1>, vector<16xf32>
        tpu.vector_store_idx %arg5[%add3A_363], %select_n3A_406 : memref<4096xf32, #tpu.memory_space<vmem>>[vector<16xi32>], vector<16xf32>,
        tpu.vector_store_idx %arg6[%add3A_363], %broadcast_in_dim3A_3 : memref<4096xf32, #tpu.memory_space<vmem>>[vector<16xi32>], vector<16xf32>,
        %max3A_407 = arith.maximumf %max3A_357, %select_n3A_406 : vector<16xf32>
        %broadcast_in_dim3A_408 = vector.broadcast %scan3A_16 : i32 to vector<16xi32>
        %reduce_max3A_409 = arith.constant true
        %reduce_max3A_410 = vector.broadcast %reduce_max3A_409 : i1 to vector<16xi1>
        %reduce_max3A_411 = tpu.scan <max>, %max3A_407 masked %reduce_max3A_410 : vector<16xf32>, vector<16xi1> -> vector<16xf32>
        %reduce_max3A_412 = vector.extract %reduce_max3A_411[15] : f32 from vector<16xf32>
        %and3A_413 = arith.constant 15 : i32
        %and3A_414 = vector.broadcast %and3A_413 : i32 to vector<16xi32>
        %and3A_415 = arith.andi %broadcast_in_dim3A_408, %and3A_414 : vector<16xi32>
        %eq3A = arith.cmpi eq, %iota3A, %and3A_415 : vector<16xi32>
        %lt3A_416 = arith.constant 16 : i32
        %lt3A_417 = vector.broadcast %lt3A_416 : i32 to vector<16xi32>
        %lt3A_418 = arith.cmpi slt, %broadcast_in_dim3A_408, %lt3A_417 : vector<16xi32>
        %and3A_419 = arith.andi %eq3A, %lt3A_418 : vector<16xi1>
        %broadcast_in_dim3A_420 = vector.broadcast %reduce_max3A_412 : f32 to vector<16xf32>
        %select_n3A_421 = arith.select %and3A_419, %broadcast_in_dim3A_420, %scan3A_17 : vector<16xi1>, vector<16xf32>
        %not3A_422 = arith.constant dense<true> : vector<16xi1>
        %not3A_423 = arith.xori %lt3A_418, %not3A_422 : vector<16xi1>
        %and3A_424 = arith.andi %eq3A, %not3A_423 : vector<16xi1>
        %broadcast_in_dim3A_425 = vector.broadcast %reduce_max3A_412 : f32 to vector<16xf32>
        %select_n3A_426 = arith.select %and3A_424, %broadcast_in_dim3A_425, %scan3A_18 : vector<16xi1>, vector<16xf32>
        scf.yield %select_n3A_421, %select_n3A_426 : vector<16xf32>, vector<16xf32>
      }
      %scan3A_12 = arith.constant 32 : i32
      %max3A = arith.maximumf %scan3A_11#0, %scan3A_11#1 : vector<16xf32>
      %reduce_max3A = arith.constant true
      %reduce_max3A_13 = vector.broadcast %reduce_max3A : i1 to vector<16xi1>
      %reduce_max3A_14 = tpu.scan <max>, %max3A masked %reduce_max3A_13 : vector<16xf32>, vector<16xi1> -> vector<16xf32>
      %reduce_max3A_15 = vector.extract %reduce_max3A_14[15] : f32 from vector<16xf32>
      %while3A:3 = scf.while (%while3A_16 = %reduce_max3A_15, %while3A_17 = %scan3A_11#0, %while3A_18 = %scan3A_11#1) : (f32, vector<16xf32>, vector<16xf32>) -> (f32, vector<16xf32>, vector<16xf32>) {
        %gt3A = arith.constant 0xFF800000 : f32
        %gt3A_19 = arith.cmpf ogt, %while3A_16, %gt3A : f32
        scf.condition(%gt3A_19) %while3A_16, %while3A_17, %while3A_18 : f32, vector<16xf32>, vector<16xf32>
      } do {
      ^bb0(%while3A_16: f32, %while3A_17: vector<16xf32>, %while3A_18: vector<16xf32>):
        %eq3A = vector.broadcast %while3A_16 : f32 to vector<16xf32>
        %eq3A_19 = arith.cmpf oeq, %while3A_17, %eq3A : vector<16xf32>
        %all_reduce_ffs3A = tpu.all_reduce %eq3A_19 {dim = 0 : i64, kind = #tpu.reduction_kind<find_first_set>} : vector<16xi1> -> vector<16xi32>
        %eq3A_20 = vector.broadcast %while3A_16 : f32 to vector<16xf32>
        %eq3A_21 = arith.cmpf oeq, %while3A_18, %eq3A_20 : vector<16xf32>
        %all_reduce_ffs3A_22 = tpu.all_reduce %eq3A_21 {dim = 0 : i64, kind = #tpu.reduction_kind<find_first_set>} : vector<16xi1> -> vector<16xi32>
        %lt3A_23 = arith.constant 16 : i32
        %lt3A_24 = vector.broadcast %lt3A_23 : i32 to vector<16xi32>
        %lt3A_25 = arith.cmpi slt, %all_reduce_ffs3A, %lt3A_24 : vector<16xi32>
        %add3A_26 = arith.constant 16 : i32
        %add3A_27 = vector.broadcast %add3A_26 : i32 to vector<16xi32>
        %add3A_28 = arith.addi %all_reduce_ffs3A_22, %add3A_27 : vector<16xi32>
        %select_n3A = arith.select %lt3A_25, %all_reduce_ffs3A, %add3A_28 : vector<16xi1>, vector<16xi32>
        %shift_left3A = arith.constant 7 : i32
        %shift_left3A_29 = vector.broadcast %shift_left3A : i32 to vector<16xi32>
        %shift_left3A_30 = arith.shli %select_n3A, %shift_left3A_29 : vector<16xi32>
        %add3A_31 = arith.constant 0 : i32
        %add3A_32 = vector.broadcast %add3A_31 : i32 to vector<16xi32>
        %add3A_33 = arith.addi %shift_left3A_30, %add3A_32 : vector<16xi32>
        %add3A_34 = arith.addi %add3A_33, %iota3A : vector<16xi32>
        %gather3A = tpu.vector_load_idx %arg5[%add3A_34] : memref<4096xf32, #tpu.memory_space<vmem>>[vector<16xi32>], vector<16xf32>,
        %eq3A_35 = vector.broadcast %while3A_16 : f32 to vector<16xf32>
        %eq3A_36 = arith.cmpf oeq, %gather3A, %eq3A_35 : vector<16xf32>
        %all_reduce_ffs3A_37 = tpu.all_reduce %eq3A_36 {dim = 0 : i64, kind = #tpu.reduction_kind<find_first_set>} : vector<16xi1> -> vector<16xi32>
        %lt3A_38 = arith.constant 16 : i32
        %lt3A_39 = vector.broadcast %lt3A_38 : i32 to vector<16xi32>
        %lt3A_40 = arith.cmpi slt, %all_reduce_ffs3A_37, %lt3A_39 : vector<16xi32>
        %add3A_41 = arith.constant 0 : i32
        %add3A_42 = vector.broadcast %add3A_41 : i32 to vector<16xi32>
        %add3A_43 = arith.addi %shift_left3A_30, %add3A_42 : vector<16xi32>
        %add3A_44 = arith.addi %add3A_43, %all_reduce_ffs3A_37 : vector<16xi32>
        %select_n3A_45 = arith.select %lt3A_40, %add3A_44, %broadcast_in_dim3A_7 : vector<16xi1>, vector<16xi32>
        %add3A_46 = arith.constant 16 : i32
        %add3A_47 = vector.broadcast %add3A_46 : i32 to vector<16xi32>
        %add3A_48 = arith.addi %shift_left3A_30, %add3A_47 : vector<16xi32>
        %add3A_49 = arith.addi %add3A_48, %iota3A : vector<16xi32>
        %gather3A_50 = tpu.vector_load_idx %arg5[%add3A_49] : memref<4096xf32, #tpu.memory_space<vmem>>[vector<16xi32>], vector<16xf32>,
        %eq3A_51 = vector.broadcast %while3A_16 : f32 to vector<16xf32>
        %eq3A_52 = arith.cmpf oeq, %gather3A_50, %eq3A_51 : vector<16xf32>
        %all_reduce_ffs3A_53 = tpu.all_reduce %eq3A_52 {dim = 0 : i64, kind = #tpu.reduction_kind<find_first_set>} : vector<16xi1> -> vector<16xi32>
        %lt3A_54 = arith.constant 16 : i32
        %lt3A_55 = vector.broadcast %lt3A_54 : i32 to vector<16xi32>
        %lt3A_56 = arith.cmpi slt, %all_reduce_ffs3A_53, %lt3A_55 : vector<16xi32>
        %add3A_57 = arith.constant 16 : i32
        %add3A_58 = vector.broadcast %add3A_57 : i32 to vector<16xi32>
        %add3A_59 = arith.addi %shift_left3A_30, %add3A_58 : vector<16xi32>
        %add3A_60 = arith.addi %add3A_59, %all_reduce_ffs3A_53 : vector<16xi32>
        %select_n3A_61 = arith.select %lt3A_56, %add3A_60, %broadcast_in_dim3A_7 : vector<16xi1>, vector<16xi32>
        %add3A_62 = arith.constant 32 : i32
        %add3A_63 = vector.broadcast %add3A_62 : i32 to vector<16xi32>
        %add3A_64 = arith.addi %shift_left3A_30, %add3A_63 : vector<16xi32>
        %add3A_65 = arith.addi %add3A_64, %iota3A : vector<16xi32>
        %gather3A_66 = tpu.vector_load_idx %arg5[%add3A_65] : memref<4096xf32, #tpu.memory_space<vmem>>[vector<16xi32>], vector<16xf32>,
        %eq3A_67 = vector.broadcast %while3A_16 : f32 to vector<16xf32>
        %eq3A_68 = arith.cmpf oeq, %gather3A_66, %eq3A_67 : vector<16xf32>
        %all_reduce_ffs3A_69 = tpu.all_reduce %eq3A_68 {dim = 0 : i64, kind = #tpu.reduction_kind<find_first_set>} : vector<16xi1> -> vector<16xi32>
        %lt3A_70 = arith.constant 16 : i32
        %lt3A_71 = vector.broadcast %lt3A_70 : i32 to vector<16xi32>
        %lt3A_72 = arith.cmpi slt, %all_reduce_ffs3A_69, %lt3A_71 : vector<16xi32>
        %add3A_73 = arith.constant 32 : i32
        %add3A_74 = vector.broadcast %add3A_73 : i32 to vector<16xi32>
        %add3A_75 = arith.addi %shift_left3A_30, %add3A_74 : vector<16xi32>
        %add3A_76 = arith.addi %add3A_75, %all_reduce_ffs3A_69 : vector<16xi32>
        %select_n3A_77 = arith.select %lt3A_72, %add3A_76, %broadcast_in_dim3A_7 : vector<16xi1>, vector<16xi32>
        %add3A_78 = arith.constant 48 : i32
        %add3A_79 = vector.broadcast %add3A_78 : i32 to vector<16xi32>
        %add3A_80 = arith.addi %shift_left3A_30, %add3A_79 : vector<16xi32>
        %add3A_81 = arith.addi %add3A_80, %iota3A : vector<16xi32>
        %gather3A_82 = tpu.vector_load_idx %arg5[%add3A_81] : memref<4096xf32, #tpu.memory_space<vmem>>[vector<16xi32>], vector<16xf32>,
        %eq3A_83 = vector.broadcast %while3A_16 : f32 to vector<16xf32>
        %eq3A_84 = arith.cmpf oeq, %gather3A_82, %eq3A_83 : vector<16xf32>
        %all_reduce_ffs3A_85 = tpu.all_reduce %eq3A_84 {dim = 0 : i64, kind = #tpu.reduction_kind<find_first_set>} : vector<16xi1> -> vector<16xi32>
        %lt3A_86 = arith.constant 16 : i32
        %lt3A_87 = vector.broadcast %lt3A_86 : i32 to vector<16xi32>
        %lt3A_88 = arith.cmpi slt, %all_reduce_ffs3A_85, %lt3A_87 : vector<16xi32>
        %add3A_89 = arith.constant 48 : i32
        %add3A_90 = vector.broadcast %add3A_89 : i32 to vector<16xi32>
        %add3A_91 = arith.addi %shift_left3A_30, %add3A_90 : vector<16xi32>
        %add3A_92 = arith.addi %add3A_91, %all_reduce_ffs3A_85 : vector<16xi32>
        %select_n3A_93 = arith.select %lt3A_88, %add3A_92, %broadcast_in_dim3A_7 : vector<16xi1>, vector<16xi32>
        %add3A_94 = arith.constant 64 : i32
        %add3A_95 = vector.broadcast %add3A_94 : i32 to vector<16xi32>
        %add3A_96 = arith.addi %shift_left3A_30, %add3A_95 : vector<16xi32>
        %add3A_97 = arith.addi %add3A_96, %iota3A : vector<16xi32>
        %gather3A_98 = tpu.vector_load_idx %arg5[%add3A_97] : memref<4096xf32, #tpu.memory_space<vmem>>[vector<16xi32>], vector<16xf32>,
        %eq3A_99 = vector.broadcast %while3A_16 : f32 to vector<16xf32>
        %eq3A_100 = arith.cmpf oeq, %gather3A_98, %eq3A_99 : vector<16xf32>
        %all_reduce_ffs3A_101 = tpu.all_reduce %eq3A_100 {dim = 0 : i64, kind = #tpu.reduction_kind<find_first_set>} : vector<16xi1> -> vector<16xi32>
        %lt3A_102 = arith.constant 16 : i32
        %lt3A_103 = vector.broadcast %lt3A_102 : i32 to vector<16xi32>
        %lt3A_104 = arith.cmpi slt, %all_reduce_ffs3A_101, %lt3A_103 : vector<16xi32>
        %add3A_105 = arith.constant 64 : i32
        %add3A_106 = vector.broadcast %add3A_105 : i32 to vector<16xi32>
        %add3A_107 = arith.addi %shift_left3A_30, %add3A_106 : vector<16xi32>
        %add3A_108 = arith.addi %add3A_107, %all_reduce_ffs3A_101 : vector<16xi32>
        %select_n3A_109 = arith.select %lt3A_104, %add3A_108, %broadcast_in_dim3A_7 : vector<16xi1>, vector<16xi32>
        %add3A_110 = arith.constant 80 : i32
        %add3A_111 = vector.broadcast %add3A_110 : i32 to vector<16xi32>
        %add3A_112 = arith.addi %shift_left3A_30, %add3A_111 : vector<16xi32>
        %add3A_113 = arith.addi %add3A_112, %iota3A : vector<16xi32>
        %gather3A_114 = tpu.vector_load_idx %arg5[%add3A_113] : memref<4096xf32, #tpu.memory_space<vmem>>[vector<16xi32>], vector<16xf32>,
        %eq3A_115 = vector.broadcast %while3A_16 : f32 to vector<16xf32>
        %eq3A_116 = arith.cmpf oeq, %gather3A_114, %eq3A_115 : vector<16xf32>
        %all_reduce_ffs3A_117 = tpu.all_reduce %eq3A_116 {dim = 0 : i64, kind = #tpu.reduction_kind<find_first_set>} : vector<16xi1> -> vector<16xi32>
        %lt3A_118 = arith.constant 16 : i32
        %lt3A_119 = vector.broadcast %lt3A_118 : i32 to vector<16xi32>
        %lt3A_120 = arith.cmpi slt, %all_reduce_ffs3A_117, %lt3A_119 : vector<16xi32>
        %add3A_121 = arith.constant 80 : i32
        %add3A_122 = vector.broadcast %add3A_121 : i32 to vector<16xi32>
        %add3A_123 = arith.addi %shift_left3A_30, %add3A_122 : vector<16xi32>
        %add3A_124 = arith.addi %add3A_123, %all_reduce_ffs3A_117 : vector<16xi32>
        %select_n3A_125 = arith.select %lt3A_120, %add3A_124, %broadcast_in_dim3A_7 : vector<16xi1>, vector<16xi32>
        %add3A_126 = arith.constant 96 : i32
        %add3A_127 = vector.broadcast %add3A_126 : i32 to vector<16xi32>
        %add3A_128 = arith.addi %shift_left3A_30, %add3A_127 : vector<16xi32>
        %add3A_129 = arith.addi %add3A_128, %iota3A : vector<16xi32>
        %gather3A_130 = tpu.vector_load_idx %arg5[%add3A_129] : memref<4096xf32, #tpu.memory_space<vmem>>[vector<16xi32>], vector<16xf32>,
        %eq3A_131 = vector.broadcast %while3A_16 : f32 to vector<16xf32>
        %eq3A_132 = arith.cmpf oeq, %gather3A_130, %eq3A_131 : vector<16xf32>
        %all_reduce_ffs3A_133 = tpu.all_reduce %eq3A_132 {dim = 0 : i64, kind = #tpu.reduction_kind<find_first_set>} : vector<16xi1> -> vector<16xi32>
        %lt3A_134 = arith.constant 16 : i32
        %lt3A_135 = vector.broadcast %lt3A_134 : i32 to vector<16xi32>
        %lt3A_136 = arith.cmpi slt, %all_reduce_ffs3A_133, %lt3A_135 : vector<16xi32>
        %add3A_137 = arith.constant 96 : i32
        %add3A_138 = vector.broadcast %add3A_137 : i32 to vector<16xi32>
        %add3A_139 = arith.addi %shift_left3A_30, %add3A_138 : vector<16xi32>
        %add3A_140 = arith.addi %add3A_139, %all_reduce_ffs3A_133 : vector<16xi32>
        %select_n3A_141 = arith.select %lt3A_136, %add3A_140, %broadcast_in_dim3A_7 : vector<16xi1>, vector<16xi32>
        %add3A_142 = arith.constant 112 : i32
        %add3A_143 = vector.broadcast %add3A_142 : i32 to vector<16xi32>
        %add3A_144 = arith.addi %shift_left3A_30, %add3A_143 : vector<16xi32>
        %add3A_145 = arith.addi %add3A_144, %iota3A : vector<16xi32>
        %gather3A_146 = tpu.vector_load_idx %arg5[%add3A_145] : memref<4096xf32, #tpu.memory_space<vmem>>[vector<16xi32>], vector<16xf32>,
        %eq3A_147 = vector.broadcast %while3A_16 : f32 to vector<16xf32>
        %eq3A_148 = arith.cmpf oeq, %gather3A_146, %eq3A_147 : vector<16xf32>
        %all_reduce_ffs3A_149 = tpu.all_reduce %eq3A_148 {dim = 0 : i64, kind = #tpu.reduction_kind<find_first_set>} : vector<16xi1> -> vector<16xi32>
        %lt3A_150 = arith.constant 16 : i32
        %lt3A_151 = vector.broadcast %lt3A_150 : i32 to vector<16xi32>
        %lt3A_152 = arith.cmpi slt, %all_reduce_ffs3A_149, %lt3A_151 : vector<16xi32>
        %add3A_153 = arith.constant 112 : i32
        %add3A_154 = vector.broadcast %add3A_153 : i32 to vector<16xi32>
        %add3A_155 = arith.addi %shift_left3A_30, %add3A_154 : vector<16xi32>
        %add3A_156 = arith.addi %add3A_155, %all_reduce_ffs3A_149 : vector<16xi32>
        %select_n3A_157 = arith.select %lt3A_152, %add3A_156, %broadcast_in_dim3A_7 : vector<16xi1>, vector<16xi32>
        %min3A = arith.minsi %select_n3A_45, %select_n3A_61 : vector<16xi32>
        %min3A_158 = arith.minsi %select_n3A_77, %select_n3A_93 : vector<16xi32>
        %min3A_159 = arith.minsi %select_n3A_109, %select_n3A_125 : vector<16xi32>
        %min3A_160 = arith.minsi %select_n3A_141, %select_n3A_157 : vector<16xi32>
        %min3A_161 = arith.minsi %min3A, %min3A_158 : vector<16xi32>
        %min3A_162 = arith.minsi %min3A_159, %min3A_160 : vector<16xi32>
        %min3A_163 = arith.minsi %min3A_161, %min3A_162 : vector<16xi32>
        %gather3A_164 = tpu.vector_load_idx %arg4[%min3A_163] : memref<4096xf32, #tpu.memory_space<vmem>>[vector<16xi32>], vector<16xf32>,
        %eq3A_165 = arith.constant 0 : i32
        %eq3A_166 = vector.broadcast %eq3A_165 : i32 to vector<16xi32>
        %eq3A_167 = arith.cmpi eq, %iota3A, %eq3A_166 : vector<16xi32>
        tpu.vector_store_idx %arg6[%min3A_163], %gather3A_164 masked %eq3A_167 : memref<4096xf32, #tpu.memory_space<vmem>>[vector<16xi32>], vector<16xf32>, vector<16xi1>
        %sub3A = arith.constant 32 : i32
        %sub3A_168 = vector.broadcast %sub3A : i32 to vector<16xi32>
        %sub3A_169 = arith.subi %min3A_163, %sub3A_168 : vector<16xi32>
        %max3A_170 = arith.constant 0 : i32
        %max3A_171 = vector.broadcast %max3A_170 : i32 to vector<16xi32>
        %max3A_172 = arith.maxsi %sub3A_169, %max3A_171 : vector<16xi32>
        %add3A_173 = arith.constant 32 : i32
        %add3A_174 = vector.broadcast %add3A_173 : i32 to vector<16xi32>
        %add3A_175 = arith.addi %min3A_163, %add3A_174 : vector<16xi32>
        %min3A_176 = arith.constant 4095 : i32
        %min3A_177 = vector.broadcast %min3A_176 : i32 to vector<16xi32>
        %min3A_178 = arith.minsi %add3A_175, %min3A_177 : vector<16xi32>
        %add3A_179 = arith.constant 0 : i32
        %add3A_180 = vector.broadcast %add3A_179 : i32 to vector<16xi32>
        %add3A_181 = arith.addi %max3A_172, %add3A_180 : vector<16xi32>
        %add3A_182 = arith.addi %add3A_181, %iota3A : vector<16xi32>
        %min3A_183 = arith.constant 4095 : i32
        %min3A_184 = vector.broadcast %min3A_183 : i32 to vector<16xi32>
        %min3A_185 = arith.minsi %add3A_182, %min3A_184 : vector<16xi32>
        %le3A = arith.cmpi sle, %add3A_182, %min3A_178 : vector<16xi32>
        tpu.vector_store_idx %arg5[%min3A_185], %broadcast_in_dim3A_5 masked %le3A : memref<4096xf32, #tpu.memory_space<vmem>>[vector<16xi32>], vector<16xf32>, vector<16xi1>
        %add3A_186 = arith.constant 16 : i32
        %add3A_187 = vector.broadcast %add3A_186 : i32 to vector<16xi32>
        %add3A_188 = arith.addi %max3A_172, %add3A_187 : vector<16xi32>
        %add3A_189 = arith.addi %add3A_188, %iota3A : vector<16xi32>
        %min3A_190 = arith.constant 4095 : i32
        %min3A_191 = vector.broadcast %min3A_190 : i32 to vector<16xi32>
        %min3A_192 = arith.minsi %add3A_189, %min3A_191 : vector<16xi32>
        %le3A_193 = arith.cmpi sle, %add3A_189, %min3A_178 : vector<16xi32>
        tpu.vector_store_idx %arg5[%min3A_192], %broadcast_in_dim3A_5 masked %le3A_193 : memref<4096xf32, #tpu.memory_space<vmem>>[vector<16xi32>], vector<16xf32>, vector<16xi1>
        %add3A_194 = arith.constant 32 : i32
        %add3A_195 = vector.broadcast %add3A_194 : i32 to vector<16xi32>
        %add3A_196 = arith.addi %max3A_172, %add3A_195 : vector<16xi32>
        %add3A_197 = arith.addi %add3A_196, %iota3A : vector<16xi32>
        %min3A_198 = arith.constant 4095 : i32
        %min3A_199 = vector.broadcast %min3A_198 : i32 to vector<16xi32>
        %min3A_200 = arith.minsi %add3A_197, %min3A_199 : vector<16xi32>
        %le3A_201 = arith.cmpi sle, %add3A_197, %min3A_178 : vector<16xi32>
        tpu.vector_store_idx %arg5[%min3A_200], %broadcast_in_dim3A_5 masked %le3A_201 : memref<4096xf32, #tpu.memory_space<vmem>>[vector<16xi32>], vector<16xf32>, vector<16xi1>
        %add3A_202 = arith.constant 48 : i32
        %add3A_203 = vector.broadcast %add3A_202 : i32 to vector<16xi32>
        %add3A_204 = arith.addi %max3A_172, %add3A_203 : vector<16xi32>
        %add3A_205 = arith.addi %add3A_204, %iota3A : vector<16xi32>
        %min3A_206 = arith.constant 4095 : i32
        %min3A_207 = vector.broadcast %min3A_206 : i32 to vector<16xi32>
        %min3A_208 = arith.minsi %add3A_205, %min3A_207 : vector<16xi32>
        %le3A_209 = arith.cmpi sle, %add3A_205, %min3A_178 : vector<16xi32>
        tpu.vector_store_idx %arg5[%min3A_208], %broadcast_in_dim3A_5 masked %le3A_209 : memref<4096xf32, #tpu.memory_space<vmem>>[vector<16xi32>], vector<16xf32>, vector<16xi1>
        %add3A_210 = arith.constant 64 : i32
        %add3A_211 = vector.broadcast %add3A_210 : i32 to vector<16xi32>
        %add3A_212 = arith.addi %max3A_172, %add3A_211 : vector<16xi32>
        %add3A_213 = arith.addi %add3A_212, %iota3A : vector<16xi32>
        %min3A_214 = arith.constant 4095 : i32
        %min3A_215 = vector.broadcast %min3A_214 : i32 to vector<16xi32>
        %min3A_216 = arith.minsi %add3A_213, %min3A_215 : vector<16xi32>
        %le3A_217 = arith.cmpi sle, %add3A_213, %min3A_178 : vector<16xi32>
        tpu.vector_store_idx %arg5[%min3A_216], %broadcast_in_dim3A_5 masked %le3A_217 : memref<4096xf32, #tpu.memory_space<vmem>>[vector<16xi32>], vector<16xf32>, vector<16xi1>
        %shift_right_arithmetic3A = arith.constant 7 : i32
        %shift_right_arithmetic3A_218 = vector.broadcast %shift_right_arithmetic3A : i32 to vector<16xi32>
        %shift_right_arithmetic3A_219 = arith.shrsi %min3A_163, %shift_right_arithmetic3A_218 : vector<16xi32>
        %shift_right_arithmetic3A_220 = arith.constant 7 : i32
        %shift_right_arithmetic3A_221 = vector.broadcast %shift_right_arithmetic3A_220 : i32 to vector<16xi32>
        %shift_right_arithmetic3A_222 = arith.shrsi %max3A_172, %shift_right_arithmetic3A_221 : vector<16xi32>
        %shift_right_arithmetic3A_223 = arith.constant 7 : i32
        %shift_right_arithmetic3A_224 = vector.broadcast %shift_right_arithmetic3A_223 : i32 to vector<16xi32>
        %shift_right_arithmetic3A_225 = arith.shrsi %min3A_178, %shift_right_arithmetic3A_224 : vector<16xi32>
        %add3A_226 = arith.addi %shift_right_arithmetic3A_222, %shift_right_arithmetic3A_225 : vector<16xi32>
        %sub3A_227 = arith.subi %add3A_226, %shift_right_arithmetic3A_219 : vector<16xi32>
        %shift_left3A_228 = arith.constant 7 : i32
        %shift_left3A_229 = vector.broadcast %shift_left3A_228 : i32 to vector<16xi32>
        %shift_left3A_230 = arith.shli %shift_right_arithmetic3A_219, %shift_left3A_229 : vector<16xi32>
        %shift_left3A_231 = arith.constant 7 : i32
        %shift_left3A_232 = vector.broadcast %shift_left3A_231 : i32 to vector<16xi32>
        %shift_left3A_233 = arith.shli %sub3A_227, %shift_left3A_232 : vector<16xi32>
        %and3A = arith.constant 15 : i32
        %and3A_234 = vector.broadcast %and3A : i32 to vector<16xi32>
        %and3A_235 = arith.andi %shift_right_arithmetic3A_219, %and3A_234 : vector<16xi32>
        %eq3A_236 = arith.cmpi eq, %iota3A, %and3A_235 : vector<16xi32>
        %and3A_237 = arith.constant 15 : i32
        %and3A_238 = vector.broadcast %and3A_237 : i32 to vector<16xi32>
        %and3A_239 = arith.andi %sub3A_227, %and3A_238 : vector<16xi32>
        %eq3A_240 = arith.cmpi eq, %iota3A, %and3A_239 : vector<16xi32>
        %lt3A_241 = arith.constant 16 : i32
        %lt3A_242 = vector.broadcast %lt3A_241 : i32 to vector<16xi32>
        %lt3A_243 = arith.cmpi slt, %shift_right_arithmetic3A_219, %lt3A_242 : vector<16xi32>
        %and3A_244 = arith.andi %eq3A_236, %lt3A_243 : vector<16xi1>
        %lt3A_245 = arith.constant 16 : i32
        %lt3A_246 = vector.broadcast %lt3A_245 : i32 to vector<16xi32>
        %lt3A_247 = arith.cmpi slt, %sub3A_227, %lt3A_246 : vector<16xi32>
        %and3A_248 = arith.andi %eq3A_240, %lt3A_247 : vector<16xi1>
        %or3A = arith.ori %and3A_244, %and3A_248 : vector<16xi1>
        %jit3A = arith.constant 0xFF800000 : f32
        %broadcast_in_dim3A_249 = vector.broadcast %jit3A : f32 to vector<16xf32>
        %select_n3A_250 = arith.select %or3A, %broadcast_in_dim3A_249, %while3A_17 : vector<16xi1>, vector<16xf32>
        %ge3A = arith.constant 16 : i32
        %ge3A_251 = vector.broadcast %ge3A : i32 to vector<16xi32>
        %ge3A_252 = arith.cmpi sge, %shift_right_arithmetic3A_219, %ge3A_251 : vector<16xi32>
        %and3A_253 = arith.andi %eq3A_236, %ge3A_252 : vector<16xi1>
        %ge3A_254 = arith.constant 16 : i32
        %ge3A_255 = vector.broadcast %ge3A_254 : i32 to vector<16xi32>
        %ge3A_256 = arith.cmpi sge, %sub3A_227, %ge3A_255 : vector<16xi32>
        %and3A_257 = arith.andi %eq3A_240, %ge3A_256 : vector<16xi1>
        %or3A_258 = arith.ori %and3A_253, %and3A_257 : vector<16xi1>
        %jit3A_259 = arith.constant 0xFF800000 : f32
        %broadcast_in_dim3A_260 = vector.broadcast %jit3A_259 : f32 to vector<16xf32>
        %select_n3A_261 = arith.select %or3A_258, %broadcast_in_dim3A_260, %while3A_18 : vector<16xi1>, vector<16xf32>
        %max3A_262 = arith.maximumf %select_n3A_250, %select_n3A_261 : vector<16xf32>
        %reduce_max3A_263 = arith.constant true
        %reduce_max3A_264 = vector.broadcast %reduce_max3A_263 : i1 to vector<16xi1>
        %reduce_max3A_265 = tpu.scan <max>, %max3A_262 masked %reduce_max3A_264 : vector<16xf32>, vector<16xi1> -> vector<16xf32>
        %reduce_max3A_266 = vector.extract %reduce_max3A_265[15] : f32 from vector<16xf32>
        %add3A_267 = arith.constant 0 : i32
        %add3A_268 = vector.broadcast %add3A_267 : i32 to vector<16xi32>
        %add3A_269 = arith.addi %add3A_268, %iota3A : vector<16xi32>
        %add3A_270 = arith.addi %shift_left3A_230, %add3A_269 : vector<16xi32>
        %gather3A_271 = tpu.vector_load_idx %arg5[%add3A_270] : memref<4096xf32, #tpu.memory_space<vmem>>[vector<16xi32>], vector<16xf32>,
        %add3A_272 = arith.addi %shift_left3A_233, %add3A_269 : vector<16xi32>
        %gather3A_273 = tpu.vector_load_idx %arg5[%add3A_272] : memref<4096xf32, #tpu.memory_space<vmem>>[vector<16xi32>], vector<16xf32>,
        %add3A_274 = arith.constant 16 : i32
        %add3A_275 = vector.broadcast %add3A_274 : i32 to vector<16xi32>
        %add3A_276 = arith.addi %add3A_275, %iota3A : vector<16xi32>
        %add3A_277 = arith.addi %shift_left3A_230, %add3A_276 : vector<16xi32>
        %gather3A_278 = tpu.vector_load_idx %arg5[%add3A_277] : memref<4096xf32, #tpu.memory_space<vmem>>[vector<16xi32>], vector<16xf32>,
        %add3A_279 = arith.addi %shift_left3A_233, %add3A_276 : vector<16xi32>
        %gather3A_280 = tpu.vector_load_idx %arg5[%add3A_279] : memref<4096xf32, #tpu.memory_space<vmem>>[vector<16xi32>], vector<16xf32>,
        %add3A_281 = arith.constant 32 : i32
        %add3A_282 = vector.broadcast %add3A_281 : i32 to vector<16xi32>
        %add3A_283 = arith.addi %add3A_282, %iota3A : vector<16xi32>
        %add3A_284 = arith.addi %shift_left3A_230, %add3A_283 : vector<16xi32>
        %gather3A_285 = tpu.vector_load_idx %arg5[%add3A_284] : memref<4096xf32, #tpu.memory_space<vmem>>[vector<16xi32>], vector<16xf32>,
        %add3A_286 = arith.addi %shift_left3A_233, %add3A_283 : vector<16xi32>
        %gather3A_287 = tpu.vector_load_idx %arg5[%add3A_286] : memref<4096xf32, #tpu.memory_space<vmem>>[vector<16xi32>], vector<16xf32>,
        %add3A_288 = arith.constant 48 : i32
        %add3A_289 = vector.broadcast %add3A_288 : i32 to vector<16xi32>
        %add3A_290 = arith.addi %add3A_289, %iota3A : vector<16xi32>
        %add3A_291 = arith.addi %shift_left3A_230, %add3A_290 : vector<16xi32>
        %gather3A_292 = tpu.vector_load_idx %arg5[%add3A_291] : memref<4096xf32, #tpu.memory_space<vmem>>[vector<16xi32>], vector<16xf32>,
        %add3A_293 = arith.addi %shift_left3A_233, %add3A_290 : vector<16xi32>
        %gather3A_294 = tpu.vector_load_idx %arg5[%add3A_293] : memref<4096xf32, #tpu.memory_space<vmem>>[vector<16xi32>], vector<16xf32>,
        %add3A_295 = arith.constant 64 : i32
        %add3A_296 = vector.broadcast %add3A_295 : i32 to vector<16xi32>
        %add3A_297 = arith.addi %add3A_296, %iota3A : vector<16xi32>
        %add3A_298 = arith.addi %shift_left3A_230, %add3A_297 : vector<16xi32>
        %gather3A_299 = tpu.vector_load_idx %arg5[%add3A_298] : memref<4096xf32, #tpu.memory_space<vmem>>[vector<16xi32>], vector<16xf32>,
        %add3A_300 = arith.addi %shift_left3A_233, %add3A_297 : vector<16xi32>
        %gather3A_301 = tpu.vector_load_idx %arg5[%add3A_300] : memref<4096xf32, #tpu.memory_space<vmem>>[vector<16xi32>], vector<16xf32>,
        %add3A_302 = arith.constant 80 : i32
        %add3A_303 = vector.broadcast %add3A_302 : i32 to vector<16xi32>
        %add3A_304 = arith.addi %add3A_303, %iota3A : vector<16xi32>
        %add3A_305 = arith.addi %shift_left3A_230, %add3A_304 : vector<16xi32>
        %gather3A_306 = tpu.vector_load_idx %arg5[%add3A_305] : memref<4096xf32, #tpu.memory_space<vmem>>[vector<16xi32>], vector<16xf32>,
        %add3A_307 = arith.addi %shift_left3A_233, %add3A_304 : vector<16xi32>
        %gather3A_308 = tpu.vector_load_idx %arg5[%add3A_307] : memref<4096xf32, #tpu.memory_space<vmem>>[vector<16xi32>], vector<16xf32>,
        %add3A_309 = arith.constant 96 : i32
        %add3A_310 = vector.broadcast %add3A_309 : i32 to vector<16xi32>
        %add3A_311 = arith.addi %add3A_310, %iota3A : vector<16xi32>
        %add3A_312 = arith.addi %shift_left3A_230, %add3A_311 : vector<16xi32>
        %gather3A_313 = tpu.vector_load_idx %arg5[%add3A_312] : memref<4096xf32, #tpu.memory_space<vmem>>[vector<16xi32>], vector<16xf32>,
        %add3A_314 = arith.addi %shift_left3A_233, %add3A_311 : vector<16xi32>
        %gather3A_315 = tpu.vector_load_idx %arg5[%add3A_314] : memref<4096xf32, #tpu.memory_space<vmem>>[vector<16xi32>], vector<16xf32>,
        %add3A_316 = arith.constant 112 : i32
        %add3A_317 = vector.broadcast %add3A_316 : i32 to vector<16xi32>
        %add3A_318 = arith.addi %add3A_317, %iota3A : vector<16xi32>
        %add3A_319 = arith.addi %shift_left3A_230, %add3A_318 : vector<16xi32>
        %gather3A_320 = tpu.vector_load_idx %arg5[%add3A_319] : memref<4096xf32, #tpu.memory_space<vmem>>[vector<16xi32>], vector<16xf32>,
        %add3A_321 = arith.addi %shift_left3A_233, %add3A_318 : vector<16xi32>
        %gather3A_322 = tpu.vector_load_idx %arg5[%add3A_321] : memref<4096xf32, #tpu.memory_space<vmem>>[vector<16xi32>], vector<16xf32>,
        %max3A_323 = arith.maximumf %gather3A_271, %gather3A_278 : vector<16xf32>
        %max3A_324 = arith.maximumf %gather3A_285, %gather3A_292 : vector<16xf32>
        %max3A_325 = arith.maximumf %gather3A_299, %gather3A_306 : vector<16xf32>
        %max3A_326 = arith.maximumf %gather3A_313, %gather3A_320 : vector<16xf32>
        %max3A_327 = arith.maximumf %gather3A_273, %gather3A_280 : vector<16xf32>
        %max3A_328 = arith.maximumf %gather3A_287, %gather3A_294 : vector<16xf32>
        %max3A_329 = arith.maximumf %gather3A_301, %gather3A_308 : vector<16xf32>
        %max3A_330 = arith.maximumf %gather3A_315, %gather3A_322 : vector<16xf32>
        %max3A_331 = arith.maximumf %max3A_323, %max3A_324 : vector<16xf32>
        %max3A_332 = arith.maximumf %max3A_325, %max3A_326 : vector<16xf32>
        %max3A_333 = arith.maximumf %max3A_327, %max3A_328 : vector<16xf32>
        %max3A_334 = arith.maximumf %max3A_329, %max3A_330 : vector<16xf32>
        %max3A_335 = arith.maximumf %max3A_331, %max3A_332 : vector<16xf32>
        %max3A_336 = arith.maximumf %max3A_333, %max3A_334 : vector<16xf32>
        %reduce_max3A_337 = arith.constant true
        %reduce_max3A_338 = vector.broadcast %reduce_max3A_337 : i1 to vector<16xi1>
        %reduce_max3A_339 = tpu.scan <max>, %max3A_335 masked %reduce_max3A_338 : vector<16xf32>, vector<16xi1> -> vector<16xf32>
        %reduce_max3A_340 = vector.extract %reduce_max3A_339[15] : f32 from vector<16xf32>
        %reduce_max3A_341 = arith.constant true
        %reduce_max3A_342 = vector.broadcast %reduce_max3A_341 : i1 to vector<16xi1>
        %reduce_max3A_343 = tpu.scan <max>, %max3A_336 masked %reduce_max3A_342 : vector<16xf32>, vector<16xi1> -> vector<16xf32>
        %reduce_max3A_344 = vector.extract %reduce_max3A_343[15] : f32 from vector<16xf32>
        %and3A_345 = arith.constant 15 : i32
        %and3A_346 = vector.broadcast %and3A_345 : i32 to vector<16xi32>
        %and3A_347 = arith.andi %shift_right_arithmetic3A_219, %and3A_346 : vector<16xi32>
        %eq3A_348 = arith.cmpi eq, %iota3A, %and3A_347 : vector<16xi32>
        %lt3A_349 = arith.constant 16 : i32
        %lt3A_350 = vector.broadcast %lt3A_349 : i32 to vector<16xi32>
        %lt3A_351 = arith.cmpi slt, %shift_right_arithmetic3A_219, %lt3A_350 : vector<16xi32>
        %and3A_352 = arith.andi %eq3A_348, %lt3A_351 : vector<16xi1>
        %broadcast_in_dim3A_353 = vector.broadcast %reduce_max3A_340 : f32 to vector<16xf32>
        %select_n3A_354 = arith.select %and3A_352, %broadcast_in_dim3A_353, %while3A_17 : vector<16xi1>, vector<16xf32>
        %not3A = arith.constant dense<true> : vector<16xi1>
        %not3A_355 = arith.xori %lt3A_351, %not3A : vector<16xi1>
        %and3A_356 = arith.andi %eq3A_348, %not3A_355 : vector<16xi1>
        %broadcast_in_dim3A_357 = vector.broadcast %reduce_max3A_340 : f32 to vector<16xf32>
        %select_n3A_358 = arith.select %and3A_356, %broadcast_in_dim3A_357, %while3A_18 : vector<16xi1>, vector<16xf32>
        %and3A_359 = arith.constant 15 : i32
        %and3A_360 = vector.broadcast %and3A_359 : i32 to vector<16xi32>
        %and3A_361 = arith.andi %sub3A_227, %and3A_360 : vector<16xi32>
        %eq3A_362 = arith.cmpi eq, %iota3A, %and3A_361 : vector<16xi32>
        %lt3A_363 = arith.constant 16 : i32
        %lt3A_364 = vector.broadcast %lt3A_363 : i32 to vector<16xi32>
        %lt3A_365 = arith.cmpi slt, %sub3A_227, %lt3A_364 : vector<16xi32>
        %and3A_366 = arith.andi %eq3A_362, %lt3A_365 : vector<16xi1>
        %broadcast_in_dim3A_367 = vector.broadcast %reduce_max3A_344 : f32 to vector<16xf32>
        %select_n3A_368 = arith.select %and3A_366, %broadcast_in_dim3A_367, %select_n3A_354 : vector<16xi1>, vector<16xf32>
        %not3A_369 = arith.constant dense<true> : vector<16xi1>
        %not3A_370 = arith.xori %lt3A_365, %not3A_369 : vector<16xi1>
        %and3A_371 = arith.andi %eq3A_362, %not3A_370 : vector<16xi1>
        %broadcast_in_dim3A_372 = vector.broadcast %reduce_max3A_344 : f32 to vector<16xf32>
        %select_n3A_373 = arith.select %and3A_371, %broadcast_in_dim3A_372, %select_n3A_358 : vector<16xi1>, vector<16xf32>
        %max3A_374 = arith.maximumf %reduce_max3A_266, %reduce_max3A_340 : f32
        %max3A_375 = arith.maximumf %max3A_374, %reduce_max3A_344 : f32
        scf.yield %max3A_375, %select_n3A_368, %select_n3A_373 : f32, vector<16xf32>, vector<16xf32>
      }
      "tpu.region"() ({
        %run_scoped3A = tpu.sem_alloc : memref<!tpu.dma_semaphore, #tpu.memory_space<semaphore_mem>>
        %dma_start3A = arith.constant 0 : i32
        %dma_start3A_16 = tpu.memref_slice %arg3[%add3A, %dma_start3A] : memref<8x4096xf32, #tpu.memory_space<hbm>> -> memref<1x4096xf32, #tpu.memory_space<hbm>>
        %dma_start3A_17 = tpu.memref_squeeze %dma_start3A_16 : memref<1x4096xf32, #tpu.memory_space<hbm>> -> memref<4096xf32, #tpu.memory_space<hbm>>
        %dma_start3A_18 = arith.constant 0 : i32
        %dma_start3A_19 = tpu.memref_slice %arg3[%add3A, %dma_start3A_18] : memref<8x4096xf32, #tpu.memory_space<hbm>> -> memref<1x4096xf32, #tpu.memory_space<hbm>>
        %dma_start3A_20 = tpu.memref_squeeze %dma_start3A_19 : memref<1x4096xf32, #tpu.memory_space<hbm>> -> memref<4096xf32, #tpu.memory_space<hbm>>
        tpu.enqueue_dma source(%arg6 : memref<4096xf32, #tpu.memory_space<vmem>>) target(%dma_start3A_20 : memref<4096xf32, #tpu.memory_space<hbm>>) target_semaphore(%run_scoped3A : memref<!tpu.dma_semaphore, #tpu.memory_space<semaphore_mem>>)
        %dma_wait3A = arith.constant 0 : i32
        %dma_wait3A_21 = tpu.memref_slice %arg3[%add3A, %dma_wait3A] : memref<8x4096xf32, #tpu.memory_space<hbm>> -> memref<1x4096xf32, #tpu.memory_space<hbm>>
        %dma_wait3A_22 = tpu.memref_squeeze %dma_wait3A_21 : memref<1x4096xf32, #tpu.memory_space<hbm>> -> memref<4096xf32, #tpu.memory_space<hbm>>
        %dma_wait3A_23 = arith.constant 0 : i32
        %dma_wait3A_24 = tpu.memref_slice %arg3[%add3A, %dma_wait3A_23] : memref<8x4096xf32, #tpu.memory_space<hbm>> -> memref<1x4096xf32, #tpu.memory_space<hbm>>
        %dma_wait3A_25 = tpu.memref_squeeze %dma_wait3A_24 : memref<1x4096xf32, #tpu.memory_space<hbm>> -> memref<4096xf32, #tpu.memory_space<hbm>>
        tpu.wait_dma2 semaphore(%run_scoped3A : memref<!tpu.dma_semaphore, #tpu.memory_space<semaphore_mem>>) src(%arg6 : memref<4096xf32, #tpu.memory_space<vmem>>) dst(%dma_wait3A_25 : memref<4096xf32, #tpu.memory_space<hbm>>)
        tpu.yield
      }) : () -> ()
    } else {
    }
    return
  }
}

</mosaic_0001>

<sc_bundles>
// kernel: _nms.3.cloned.1.call-start
scs
__scs_entry_jumppad:
0x0: {  	(pc) =	sbr.rel $0x88, $3  }
0x1: {  	(tag) =	ssettag $0x0;
	lr =	simm.s32 $0x1  }
0x2: {  	[smem:$0x3FA0] =	sst lr;
	_ =	strace $0xD0000000  }
0x3: {  	_ = 	snop  }
0x4: {  	_ = 	snop  }
0x5: {  	_ = 	snop  }
0x6: {  	_ = 	snop  }
0x7: {  	_ = 	snop  }
__scs_overlays_trampoline_lowered:
0x8: {  	[smem:$0x3FAF] =	sst s0  }
0x9: {  	[smem:$0x3FB0] =	sst s1  }
0xa: {  	[smem:$0x3FB1] =	sst s2  }
0xb: {  	[smem:$0x3FB2] =	sst s3  }
0xc: {  	[smem:$0x3FB3] =	sst s4  }
0xd: {  	[smem:$0x3FB4] =	sst s5  }
0xe: {  	[smem:$0x3FB5] =	sst s6  }
0xf: {  	[smem:$0x3FB6] =	sst s7  }
0x10: {  	[smem:$0x3FB7] =	sst s8  }
0x11: {  	[smem:$0x3FB8] =	sst s9;
	s0 =	simm.s32 @!p0 $0x0  }
0x12: {  	s1 =	sld [smem:$0x3F9E];
	s0 =	simm.s32 @p0 $0x1  }
0x13: {  	[smem:$0x3FB9] =	sst s0;
	s0 =	simm.s32 @!p1 $0x0  }
0x14: {  	s2 =	sld [smem:$0x3F9D];
	s0 =	simm.s32 @p1 $0x1  }
0x15: {  	[smem:$0x3FBA] =	sst s0;
	s0 =	simm.s32 @!p2 $0x0  }
0x16: {  	s3 =	sld [smem:$0x3FDB];
	s0 =	simm.s32 @p2 $0x1  }
0x17: {  	s4 =	simm.s32 $0x1BF5;
	[smem:$0x3FBC] =	sst s0  }
0x18: {  	s0 =	sld [smem:$0x3F9F];
	_ =	swait.ge [sflag:s4], $0x0  }
0x19: {  	s7 =	sld [smem:$0x3FA0]  }
0x1a: {  	s8 =	sadd.s32 $0xFFFFE003, lr  }
0x1b: {  	s9 =	sadd.s32 $0xFFFFFEF7, lr;
	s5 =	simm.s32 $0xFFFFFFFF;
	p2 =	slt.u32 s8, $0xFFFFF086  }
0x1c: {  	p1 =	slt.u32 s9, $0xF7A;
	s5 =	simm.s32 @!p2 $0x0  }
0x1d: {  	s5 =	simm.s32 @p1 $0x1;
	p0 =	seq.s32 s7, s2  }
0x1e: {  	s7 =	smul.u32 @!p0 $0xF7A, s2;
	p2 =	seq.s32 @!p0 s5, $0x0  }
0x1f: {  	s9 =	smul.u32 $0xF7A, s1;
	s8 =	simm.s32 @!p0 $0x1BF5;
	p2 =	por !p2, p0  }
0x20: {  	[sflag:s8] =	ssyncset.s32 @!p0 $0xFFFFF086;
	s6 =	sadd.s32 @!p0 s3, s7;
	s7 =	simm.s32 @!p0 $0x108  }
0x21: {  	s3 =	sadd.s32 s3, s9;
	s6 =	sadd.s32 @!p0 $0x88, s6;
	s7 =	simm.s32 @p2 $0x1082  }
0x22: {  	[simem:s7], [sflag:s8] =	dma.local @!p0 [hbm:s6], $0xF7A  }
0x23: {  	s9 =	sor.u32 $0xD0000000, s2;
	s6 =	simm.s32 $0x108;
	_ =	swait.ge @!p0 [sflag:s8], $0x0  }
0x24: {  	s3 =	sadd.s32 $0x88, s3;
	s6 =	simm.s32 @!p1 $0x1082;
	[sflag:s4] =	ssyncset.s32 $0xFFFFF086  }
0x25: {  	[simem:s6], [sflag:s4] =	dma.local [hbm:s3], $0xF7A  }
0x26: {  	[smem:$0x3FA0] =	sst s1;
	(tag) =	ssettag s2;
	_ =	strace s9  }
0x27: {  	s1 =	sld [smem:$0x3FB0]  }
0x28: {  	s2 =	sld [smem:$0x3FB1]  }
0x29: {  	s4 =	sld [smem:$0x3FB3]  }
0x2a: {  	p0 =	seq.s32 s5, $0x0;
	s5 =	sld [smem:$0x3FB4]  }
0x2b: {  	s6 =	sld [smem:$0x3FB5]  }
0x2c: {  	s7 =	sld [smem:$0x3FB6]  }
0x2d: {  	s3 =	simm.s32 $0x108;
	s8 =	sld [smem:$0x3FB7]  }
0x2e: {  	s3 =	simm.s32 @!p0 $0x1082;
	s9 =	sld [smem:$0x3FB8]  }
0x2f: {  	lr =	sadd.s32 s0, s3;
	s0 =	sld [smem:$0x3FAF]  }
0x30: {  	s3 =	sld [smem:$0x3FB2]  }
0x31: {  	[smem:$0x3FBB] =	sst s10  }
0x32: {  	s10 =	sld [smem:$0x3FB9];
	_ =	sdelay $0x3  }
0x33: {  	p0 =	seq.s32 s10, $0x1;
	s10 =	sld [smem:$0x3FBB];
	_ =	sdelay $0x3  }
0x34: {  	[smem:$0x3FBB] =	sst s10  }
0x35: {  	s10 =	sld [smem:$0x3FBA];
	_ =	sdelay $0x3  }
0x36: {  	p1 =	seq.s32 s10, $0x1;
	s10 =	sld [smem:$0x3FBB];
	_ =	sdelay $0x3  }
0x37: {  	[smem:$0x3FBB] =	sst s10  }
0x38: {  	s10 =	sld [smem:$0x3FBC]  }
0x39: {  	_ = 	snop;
	(pc) =	sbr.ind lr, $3  }
0x3a: {  	_ = 	snop  }
0x3b: {  	_ = 	snop  }
0x3c: {  	p2 =	seq.s32 s10, $0x1;
	s10 =	sld [smem:$0x3FBB]  }
0x3d: {  	_ =	shalt  }
0x3e: {  	_ =	shalt  }
0x3f: {  	_ =	shalt  }
0x40: {  	_ =	shalt  }
0x41: {  	_ =	shalt  }
0x42: {  	_ =	shalt  }
0x43: {  	_ =	shalt  }
0x44: {  	_ =	shalt  }
0x45: {  	_ =	shalt  }
0x46: {  	_ =	shalt  }
0x47: {  	_ =	shalt  }
0x48: {  	_ =	shalt  }
0x49: {  	_ =	shalt  }
0x4a: {  	_ =	shalt  }
0x4b: {  	_ =	shalt  }
0x4c: {  	_ =	shalt  }
0x4d: {  	_ =	shalt  }
0x4e: {  	_ =	shalt  }
0x4f: {  	_ =	shalt  }
0x50: {  	_ =	shalt  }
0x51: {  	_ =	shalt  }
0x52: {  	_ =	shalt  }
0x53: {  	_ =	shalt  }
0x54: {  	_ =	shalt  }
0x55: {  	_ =	shalt  }
0x56: {  	_ =	shalt  }
0x57: {  	_ =	shalt  }
0x58: {  	_ =	shalt  }
0x59: {  	_ =	shalt  }
0x5a: {  	_ =	shalt  }
0x5b: {  	_ =	shalt  }
0x5c: {  	_ =	shalt  }
0x5d: {  	_ =	shalt  }
0x5e: {  	_ =	shalt  }
0x5f: {  	_ =	shalt  }
0x60: {  	_ =	shalt  }
0x61: {  	_ =	shalt  }
0x62: {  	_ =	shalt  }
0x63: {  	_ =	shalt  }
0x64: {  	_ =	shalt  }
0x65: {  	_ =	shalt  }
0x66: {  	_ =	shalt  }
0x67: {  	_ =	shalt  }
0x68: {  	_ =	shalt  }
0x69: {  	_ =	shalt  }
0x6a: {  	_ =	shalt  }
0x6b: {  	_ =	shalt  }
0x6c: {  	_ =	shalt  }
0x6d: {  	_ =	shalt  }
0x6e: {  	_ =	shalt  }
0x6f: {  	_ =	shalt  }
0x70: {  	_ =	shalt  }
0x71: {  	_ =	shalt  }
0x72: {  	_ =	shalt  }
0x73: {  	_ =	shalt  }
0x74: {  	_ =	shalt  }
0x75: {  	_ =	shalt  }
0x76: {  	_ =	shalt  }
0x77: {  	_ =	shalt  }
0x78: {  	_ =	shalt  }
0x79: {  	_ =	shalt  }
0x7a: {  	_ =	shalt  }
0x7b: {  	_ =	shalt  }
0x7c: {  	_ =	shalt  }
0x7d: {  	_ =	shalt  }
0x7e: {  	_ =	shalt  }
0x7f: {  	_ =	shalt  }
0x80: {  	_ =	shalt  }
0x81: {  	_ =	shalt  }
0x82: {  	_ =	shalt  }
0x83: {  	_ =	shalt  }
0x84: {  	_ =	shalt  }
0x85: {  	_ =	shalt  }
0x86: {  	_ =	shalt  }
0x87: {  	_ =	shalt  }
.Lfunc_end0:
.L_simem_size_0:
called_computation_lowered:
.L_overlay_start_0:
0x88: {  	s2 =	sld [smem:$0x3FD9]  }
0x89: {  	s3 =	sld [smem:$0x3FFE];
	_ =	sdelay $0x1  }
0x8a: {  	s1 =	srdreg.scid  }
0x8b: {  	s0 =	sand.u32 $0x1, s1  }
0x8c: {  	s18 =	sshll.u32 s0, $0xA;
	s2 =	sadd.s32 s3, s2  }
0x8d: {  	s2 =	sadd.s32 s2, s18  }
0x8e: {  	[smem:$0x3FC7] =	sst s2  }
0x8f: {  	_ = 	snop  }
0x90: {  	s2 =	sld [smem:$0x3FC9]  }
0x91: {  	s19 =	sld [smem:$0x3FD0];
	(tm) =	ssettm $0x1  }
0x92: {  	s4 =	sld [smem:$0x3FFB];
	_ =	sdelay $0x3  }
0x93: {  	_ =	strace s4  }
0x94: {  	s4 =	sld [smem:$0x3FFC];
	_ =	sdelay $0x3  }
0x95: {  	_ =	strace s4  }
0x96: {  	s4 =	sld [smem:$0x3FFD];
	_ =	sdelay $0x3  }
0x97: {  	_ =	strace s4  }
0x98: {  	_ =	strace $0x8FFFFFFF  }
0x99: {  	s20 =	sld [smem:$0x3FDB];
	_ =	sdelay $0x1  }
0x9a: {  	s5 =	simm.s32 $_scs_section_size  }
0x9b: {  	s6 =	simm.s32 $_size__tile_overlayer_lowered;
	s7 =	simm.s32 $_tile_overlayer_lowered  }
0x9c: {  	s23 =	simm.s32 $0x1BFF;
	s22 =	sshll.u32 s7, $0x1;
	s4 =	sadd.s32 s5, s20  }
0x9d: {  	s8 =	simm.s32 $0x0;
	s21 =	sshll.u32 s6, $0x1;
	s6 =	sadd.s32 s22, s4  }
0x9e: {  	[timem:s8], [sflag:s23] =	dma.local [hbm:s6], s21  }
0x9f: {  	_ =	swait.ge [sflag:s23], s21  }
0xa0: {  	s5 =	ssub.s32 $0x0, s21;
	[sflag:s23] =	ssyncset.done $0x0  }
0xa1: {  	[sflag:s23] =	ssyncadd.s32 s5;
	_ =	sdelay $0x1  }
0xa2: {  	s24 =	simm.s32 $0x1B8B  }
0xa3: {  	_ =	swait.ge [sflag:s24], $0x1  }
0xa4: {  	[sflag:s24] =	ssyncset.done $0x0  }
0xa5: {  	s25 =	simm.s32 $0x1B8E;
	[sflag:s24] =	ssyncadd.s32 $0xFFFFFFFF  }
0xa6: {  	s26 =	simm.s32 $execute0_lowered;
	[smem:$0x3FD2] =	sst s25  }
0xa7: {  	s5 =	sshll.u32 s26, $0x1;
	_ =	strace $0x80000046;
	[dreg:$0x1] =	wrdreg $0xFFFFFFFF  }
0xa8: {  	s28 =	simm.s32 $_size_execute0_lowered;
	s4 =	sadd.s32 s4, s5;
	[dreg:$0x0] =	wrdreg $0x0  }
0xa9: {  	s5 =	sshll.u32 s28, $0x1;
	[dreg:$0x2] =	wrdreg s4  }
0xaa: {  	[dreg:$0x3] =	wrdreg s5  }
0xab: {  	[dreg:$0x4] =	wrdreg $0xC0  }
0xac: {  	_ =	task [dreg:s8], $0x5FFFF  }
0xad: {  	[dreg:$0x1] =	wrdreg $0xFFFFFFFF  }
0xae: {  	[dreg:$0x0] =	wrdreg $0x60  }
0xaf: {  	[dreg:$0x2] =	wrdreg s2  }
0xb0: {  	[dreg:$0x3] =	wrdreg s19  }
0xb1: {  	[dreg:$0x4] =	wrdreg $0x9  }
0xb2: {  	_ =	task.clear_ibuf [dreg:s8], $0x5FFFF;
	_ =	strace $0x90000046  }
0xb3: {  	s29 =	simm.s32 $0x9;
	_ =	strace $0x80000048  }
0xb4: {  	_ =	swait.ge [sflag:s29], $0x1  }
0xb5: {  	[sflag:s29] =	ssyncadd.s32 $0xFFFFFFFF  }
0xb6: {  	_ =	strace $0x90000048  }
0xb7: {  	_ =	sfence  }
0xb8: {  	s30 =	sld [smem:$0x0];
	_ =	sdelay $0x2  }
0xb9: {  	s31 =	sshll.u32 s1, $0xD;
	s1 =	sshrl.u32 s1, $0x2  }
0xba: {  	s3 =	sand.u32 $0x4000, s31;
	s1 =	sadd.s32 s1, s30  }
0xbb: {  	s0 =	sor.u32 s3, s0;
	s1 =	sshll.u32 s1, $0x11  }
0xbc: {  	s0 =	sor.u32 s1, s0  }
0xbd: {  	s0 =	sadd.s32 $0x8F2B, s0  }
0xbe: {  	[sflag:s0] =	ssyncadd.remote.s32 $0x1  }
0xbf: {  	_ =	sfence.sel $0xFFFF  }
0xc0: {  	[dreg:$0x0] =	wrdreg $0xFFFFFFFF;
	(pc) =	sbr.abs _section_cstart, $3  }
0xc1: {  	[dreg:$0x1] =	wrdreg $0xFFFFFFFF  }
0xc2: {  	_ =	task.clear_ibuf [dreg:s8], $0x2FFFF;
	_ =	strace $0x9FFFFFFF  }
0xc3: {  	(tm) =	ssettm $0x7FFFFFFF  }
tec
execute0_lowered:
.L_overlay_start_1:
0x0: {  	(tag) =	ssettag $0x1  }
0x1: {  	s1 =	stileid.u32  }
0x2: {  	p0 =	sgt.u32 s1, $0x3  }
.Ltmp0:
0x3: {  	_ = 	snop;
	(pc) =	sbr.rel @p0 .LBB2_7-.Ltmp0, $4  }
0x4: {  	s4 =	rddreg [dreg:$0x0]  }
0x5: {  	s3 =	rddreg [dreg:$0x1];
	s2 =	simm.s32 $0x0  }
0x6: {  	[smem:$0x7FF] =	sst s2  }
0x7: {  	s0 =	rddreg [dreg:$0x2];
	_ =	strace $0x80000047  }
0x8: {  	s5 =	srdreg.scid;
	s7 =	sshll.u32 s1, $0x5;
	s9 =	simm.s32 $0x1000  }
.Ltmp1:
0x9: {  	s10 =	simm.s32 $0x2000;
	s5 =	sand.u32 $0x1, s5;
	(pc) =	sbr.rel .LBB2_2-.Ltmp1, $4  }
0xa: {  	s11 =	simm.s32 $0x0;
	s6 =	ssub.s32 $0x2, s5;
	s5 =	sshll.u32 s5, $0x4  }
0xb: {  	v0 =	vlaneseq.u32;
	v3 =	vimm.f32 $0.0e+00;
	v8 =	vimm.f32 $-Inf;
	s8 =	sshrl.u32 s6, $0x1;
	s5 =	sor.u32 s5, s7;
	s7 =	simm.s32 $0x400  }
0xc: {  	v1 =	vadd.s32 $0xFFFFFFFF, v0;
	v2 =	vadd.s32 $0x1, v0;
	v4 =	vor.u32 $0x10, v0;
	s6 =	ssub.s32 s6, s8;
	s3 =	sadd.s32 s3, s5;
	s4 =	sadd.s32 s4, s5  }
0xd: {  	v5 =	vor.u32 $0x20, v0;
	v6 =	vor.u32 $0x30, v0;
	v7 =	vor.u32 $0x40, v0;
	s8 =	simm.s32 $0x1;
	s5 =	smax.u32 s6, $0x1;
	s6 =	simm.s32 $0x80  }
.LBB2_6:
0xe: {  	s11 =	sadd.s32 $0x1, s11  }
0xf: {  	p0 =	sne.s32 s11, s5  }
.Ltmp2:
0x10: {  	_ = 	snop;
	(pc) =	sbr.rel @!p0 .LBB2_7-.Ltmp2, $4  }
0x11: {  	[hbm4b:s3+s6] =	stream.strided.scatter [tilespmem:s10], [sflag:$0x1], $0x1000, s7, s6, $0x38;
	[tilespmem:$0x3000] =	vst v63  }
0x12: {  	_ =	swait.ge [sflag:s8], $0x1000  }
0x13: {  	[sflag:s8] =	ssyncset.done $0x0  }
0x14: {  	[sflag:s8] =	ssyncadd.s32 $0xFFFFF000  }
.LBB2_2:
0x15: {  	s13 =	simm.s32 $0x0  }
0x16: {  	v9 =	vadd.s32 s13, v1  }
0x17: {  	s12 =	simm.s32 $0x0;
	v11 =	vor.u32 s13, v0;
	vm0 =	vgt.s32 v9, $0x0  }
0x18: {  	[tilespmem:s12], [sflag:$0x1] =	stream.strided.gather [hbm4b:s4+s6], $0x1000, s7, s6, $0x38;
	v9 =	vnsel vm0, $0x0, v9;
	[tilespmem:$0x3000] =	vst v63  }
0x19: {  	v10 =	vor.u32 s13, v2;
	_ =	swait.ge [sflag:s8], $0x1000  }
0x1a: {  	[sflag:s8] =	ssyncset.done $0x0  }
0x1b: {  	[sflag:s8] =	ssyncadd.s32 $0xFFFFF000  }
0x1c: {  	v12 =	vld.idx.msk [tilespmem:v11+s2+$0x0], $0xffff  }
0x1d: {  	v9 =	vld.idx.msk [tilespmem:v9+s2+$0x0], $0xffff  }
0x1e: {  	v10 =	vld.idx.msk [tilespmem:v10+s2+$0x0], $0xffff;
	_ =	sdelay $0x3  }
0x1f: {  	v9 =	vsub.f32 v12, v9  }
0x20: {  	s24 =	simm.s32 $0x10;
	v10 =	vsub.f32 v10, v12;
	vm0 =	vgt.f32 v12, $0.0e+00  }
0x21: {  	v13 =	vor.u32 s24, v0;
	vm4 =	vmneg vm0;
	vm2 =	vgt.f32 v9, $0.0e+00  }
0x22: {  	vm1 =	vle.f32 v10, $0.0e+00;
	vm3 =	vgt.f32 v10, $0.0e+00;
	vm0 =	vmand vm2, vm0  }
0x23: {  	vm2 =	vle.f32 v9, $0.0e+00;
	vm0 =	vmand vm0, vm1;
	vm1 =	vmand vm3, vm4  }
0x24: {  	v10 =	vand.u32 $0x7FFFFFFF, v12;
	v9 =	vadd.s32 s24, v1;
	vm1 =	vmand vm2, vm1  }
0x25: {  	v12 =	vadd.s32 s24, v2;
	vm2 =	vgt.s32 v9, $0x0;
	vm0 =	vmor vm0, vm1  }
0x26: {  	v9 =	vnsel vm2, $0x0, v9;
	v10 =	vnsel vm0, $0xFF800000, v10  }
0x27: {  	[tilespmem:v11+s9+$0x0] =	vst.idx.msk $0xffff, v10  }
0x28: {  	[tilespmem:v11+s10+$0x0] =	vst.idx.msk $0xffff, v3  }
0x29: {  	v11 =	vld.idx.msk [tilespmem:v13+s2+$0x0], $0xffff  }
0x2a: {  	v12 =	vld.idx.msk [tilespmem:v12+s2+$0x0], $0xffff  }
0x2b: {  	v9 =	vld.idx.msk [tilespmem:v9+s2+$0x0], $0xffff;
	_ =	sdelay $0x4  }
0x2c: {  	s25 =	simm.s32 $0x20;
	v12 =	vsub.f32 v12, v11;
	v9 =	vsub.f32 v11, v9  }
0x2d: {  	v14 =	vor.u32 s25, v0  }
0x2e: {  	vm0 =	vgt.f32 v11, $0.0e+00;
	vm2 =	vle.f32 v12, $0.0e+00;
	vm1 =	vgt.f32 v9, $0.0e+00  }
0x2f: {  	vm3 =	vgt.f32 v12, $0.0e+00;
	vm1 =	vmand vm1, vm0;
	vm0 =	vmneg vm0  }
0x30: {  	vm1 =	vmand vm1, vm2;
	vm0 =	vmand vm3, vm0;
	vm2 =	vle.f32 v9, $0.0e+00  }
0x31: {  	v11 =	vand.u32 $0x7FFFFFFF, v11;
	v9 =	vadd.s32 s25, v1;
	vm0 =	vmand vm2, vm0  }
0x32: {  	v12 =	vor.u32 s25, v2;
	vm2 =	vgt.s32 v9, $0x0;
	vm0 =	vmor vm1, vm0  }
0x33: {  	v9 =	vnsel vm2, $0x0, v9;
	v11 =	vnsel vm0, $0xFF800000, v11  }
0x34: {  	[tilespmem:v13+s9+$0x0] =	vst.idx.msk $0xffff, v11  }
0x35: {  	[tilespmem:v13+s10+$0x0] =	vst.idx.msk $0xffff, v3  }
0x36: {  	v13 =	vld.idx.msk [tilespmem:v14+s2+$0x0], $0xffff  }
0x37: {  	v12 =	vld.idx.msk [tilespmem:v12+s2+$0x0], $0xffff  }
0x38: {  	v9 =	vld.idx.msk [tilespmem:v9+s2+$0x0], $0xffff;
	_ =	sdelay $0x3  }
0x39: {  	v12 =	vsub.f32 v12, v13  }
0x3a: {  	s26 =	simm.s32 $0x30;
	vm0 =	vgt.f32 v13, $0.0e+00;
	v9 =	vsub.f32 v13, v9  }
0x3b: {  	v15 =	vadd.s32 s26, v1;
	vm3 =	vmneg vm0;
	vm10 =	vgt.f32 v12, $0.0e+00  }
0x3c: {  	vm1 =	vgt.f32 v9, $0.0e+00;
	vm2 =	vle.f32 v9, $0.0e+00;
	vm3 =	vmand vm10, vm3  }
0x3d: {  	v9 =	vor.u32 s26, v0;
	vm0 =	vmand vm1, vm0;
	vm1 =	vle.f32 v12, $0.0e+00  }
0x3e: {  	v12 =	vand.u32 $0x7FFFFFFF, v13;
	vm0 =	vmand vm0, vm1;
	vm1 =	vmand vm2, vm3  }
0x3f: {  	v13 =	vadd.s32 s26, v2;
	vm0 =	vmor vm0, vm1;
	vm1 =	vgt.s32 v15, $0x0  }
0x40: {  	v12 =	vnsel vm0, $0xFF800000, v12;
	v15 =	vnsel vm1, $0x0, v15  }
0x41: {  	[tilespmem:v14+s9+$0x0] =	vst.idx.msk $0xffff, v12  }
0x42: {  	[tilespmem:v14+s10+$0x0] =	vst.idx.msk $0xffff, v3  }
0x43: {  	v14 =	vld.idx.msk [tilespmem:v9+s2+$0x0], $0xffff  }
0x44: {  	v13 =	vld.idx.msk [tilespmem:v13+s2+$0x0], $0xffff  }
0x45: {  	v15 =	vld.idx.msk [tilespmem:v15+s2+$0x0], $0xffff;
	_ =	sdelay $0x3  }
0x46: {  	v13 =	vsub.f32 v13, v14  }
0x47: {  	s28 =	simm.s32 $0x40;
	vm0 =	vgt.f32 v14, $0.0e+00;
	v15 =	vsub.f32 v14, v15  }
0x48: {  	v16 =	vor.u32 s28, v0;
	vm1 =	vmneg vm0;
	vm2 =	vgt.f32 v13, $0.0e+00  }
0x49: {  	vm11 =	vle.f32 v13, $0.0e+00;
	v13 =	vadd.s32 s28, v1;
	vm3 =	vgt.f32 v15, $0.0e+00  }
0x4a: {  	vm1 =	vmand vm2, vm1;
	vm2 =	vle.f32 v15, $0.0e+00;
	vm0 =	vmand vm3, vm0  }
0x4b: {  	vm1 =	vmand vm2, vm1;
	vm2 =	vgt.s32 v13, $0x0;
	vm0 =	vmand vm0, vm11  }
0x4c: {  	v14 =	vand.u32 $0x7FFFFFFF, v14;
	v15 =	vnsel vm2, $0x0, v13;
	vm0 =	vmor vm0, vm1  }
0x4d: {  	v13 =	vnsel vm0, $0xFF800000, v14;
	v14 =	vor.u32 s28, v2  }
0x4e: {  	[tilespmem:v9+s9+$0x0] =	vst.idx.msk $0xffff, v13  }
0x4f: {  	[tilespmem:v9+s10+$0x0] =	vst.idx.msk $0xffff, v3  }
0x50: {  	v9 =	vld.idx.msk [tilespmem:v16+s2+$0x0], $0xffff  }
0x51: {  	v15 =	vld.idx.msk [tilespmem:v15+s2+$0x0], $0xffff  }
0x52: {  	v14 =	vld.idx.msk [tilespmem:v14+s2+$0x0], $0xffff;
	_ =	sdelay $0x3  }
0x53: {  	v15 =	vsub.f32 v9, v15  }
0x54: {  	vm0 =	vgt.f32 v9, $0.0e+00;
	v14 =	vsub.f32 v14, v9  }
0x55: {  	s29 =	simm.s32 $0x50;
	vm1 =	vmneg vm0;
	vm2 =	vgt.f32 v15, $0.0e+00;
	vm3 =	vle.f32 v15, $0.0e+00  }
0x56: {  	vm12 =	vle.f32 v14, $0.0e+00;
	vm5 =	vgt.f32 v14, $0.0e+00;
	v14 =	vadd.s32 s29, v1  }
0x57: {  	vm0 =	vmand vm2, vm0;
	vm1 =	vmand vm5, vm1;
	vm2 =	vgt.s32 v14, $0x0  }
0x58: {  	vm0 =	vmand vm0, vm12;
	vm1 =	vmand vm3, vm1;
	v14 =	vnsel vm2, $0x0, v14  }
0x59: {  	v17 =	vadd.s32 s29, v2;
	v9 =	vand.u32 $0x7FFFFFFF, v9;
	vm0 =	vmor vm0, vm1  }
0x5a: {  	v18 =	vor.u32 s29, v0;
	v15 =	vnsel vm0, $0xFF800000, v9  }
0x5b: {  	[tilespmem:v16+s9+$0x0] =	vst.idx.msk $0xffff, v15  }
0x5c: {  	[tilespmem:v16+s10+$0x0] =	vst.idx.msk $0xffff, v3  }
0x5d: {  	v9 =	vld.idx.msk [tilespmem:v14+s2+$0x0], $0xffff  }
0x5e: {  	v14 =	vld.idx.msk [tilespmem:v17+s2+$0x0], $0xffff  }
0x5f: {  	v16 =	vld.idx.msk [tilespmem:v18+s2+$0x0], $0xffff;
	_ =	sdelay $0x4  }
0x60: {  	v9 =	vsub.f32 v16, v9;
	v14 =	vsub.f32 v14, v16  }
0x61: {  	vm0 =	vgt.f32 v16, $0.0e+00  }
0x62: {  	s30 =	simm.s32 $0x60;
	vm13 =	vmneg vm0;
	vm1 =	vle.f32 v14, $0.0e+00;
	vm2 =	vgt.f32 v9, $0.0e+00  }
0x63: {  	vm3 =	vgt.f32 v14, $0.0e+00;
	v14 =	vadd.s32 s30, v1;
	vm0 =	vmand vm2, vm0  }
0x64: {  	vm2 =	vle.f32 v9, $0.0e+00;
	vm0 =	vmand vm0, vm1;
	vm1 =	vmand vm3, vm13  }
0x65: {  	v20 =	vor.u32 s30, v0;
	vm1 =	vmand vm2, vm1;
	vm2 =	vgt.s32 v14, $0x0  }
0x66: {  	v9 =	vand.u32 $0x7FFFFFFF, v16;
	vm0 =	vmor vm0, vm1;
	v14 =	vnsel vm2, $0x0, v14  }
0x67: {  	v17 =	vnsel vm0, $0xFF800000, v9;
	v9 =	vor.u32 s30, v2  }
0x68: {  	[tilespmem:v18+s9+$0x0] =	vst.idx.msk $0xffff, v17  }
0x69: {  	[tilespmem:v18+s10+$0x0] =	vst.idx.msk $0xffff, v3  }
0x6a: {  	v18 =	vld.idx.msk [tilespmem:v20+s2+$0x0], $0xffff  }
0x6b: {  	v14 =	vld.idx.msk [tilespmem:v14+s2+$0x0], $0xffff  }
0x6c: {  	v9 =	vld.idx.msk [tilespmem:v9+s2+$0x0], $0xffff;
	_ =	sdelay $0x2  }
0x6d: {  	s31 =	simm.s32 $0x70  }
0x6e: {  	v19 =	vadd.s32 s31, v1;
	v21 =	vadd.s32 s31, v2  }
0x6f: {  	vm0 =	vgt.f32 v18, $0.0e+00;
	v14 =	vsub.f32 v18, v14;
	v9 =	vsub.f32 v9, v18  }
0x70: {  	v16 =	vor.u32 s31, v0;
	vm2 =	vlt.s32 v21, $0xFFF;
	vm3 =	vmneg vm0  }
0x71: {  	vm1 =	vgt.f32 v14, $0.0e+00;
	vm14 =	vle.f32 v9, $0.0e+00;
	vm15 =	vgt.f32 v9, $0.0e+00  }
0x72: {  	vm0 =	vmand vm1, vm0;
	vm1 =	vmand vm15, vm3;
	vm3 =	vle.f32 v14, $0.0e+00  }
0x73: {  	v21 =	vnsel vm2, $0xFFF, v21;
	vm0 =	vmand vm0, vm14;
	vm1 =	vmand vm3, vm1  }
0x74: {  	v9 =	vand.u32 $0x7FFFFFFF, v18;
	vm3 =	vgt.s32 v19, $0x0;
	vm0 =	vmor vm0, vm1  }
0x75: {  	v14 =	vnsel vm3, $0x0, v19;
	v19 =	vnsel vm0, $0xFF800000, v9  }
0x76: {  	v9 =	vmov s12;
	[tilespmem:v20+s9+$0x0] =	vst.idx.msk $0xffff, v19  }
0x77: {  	v18 =	vand.u32 $0xF, v9;
	[tilespmem:v20+s10+$0x0] =	vst.idx.msk $0xffff, v3  }
0x78: {  	vm0 =	veq.s32 v18, v0;
	v18 =	vld.idx.msk [tilespmem:v16+s2+$0x0], $0xffff  }
0x79: {  	vm0 =	vmmov vm0;
	v21 =	vld.idx.msk [tilespmem:v21+s2+$0x0], $0xffff  }
0x7a: {  	s13 =	simm.s32 $0xF0;
	v20 =	vld.idx.msk [tilespmem:v14+s2+$0x0], $0xffff;
	v14 =	vmax.f32 v10, v11;
	v10 =	vimm.f32 $-Inf;
	v11 =	vimm.f32 $-Inf  }
.LBB2_3:
0x7b: {  	p0 =	sne.s32 s13, $0xFF0  }
0x7c: {  	s12 =	sadd.s32 $0x1, s12;
	s14 =	smov.u32 s13;
	s13 =	sadd.s32 $0x80, s13  }
0x7d: {  	v22 =	vmov s12  }
0x7e: {  	v12 =	vmax.f32 v14, v12;
	v23 =	vand.u32 $0xF, v22  }
0x7f: {  	v12 =	vmax.f32 v12, v13;
	vm1 =	veq.s32 v23, v0  }
0x80: {  	v12 =	vmax.f32 v12, v15;
	v13 =	vsub.f32 v18, v20  }
0x81: {  	v12 =	vmax.f32 v12, v17;
	v14 =	vsub.f32 v21, v18  }
0x82: {  	vm2 =	vgt.f32 v18, $0.0e+00;
	v12 =	vmax.f32 v12, v19;
	vm3 =	vgt.f32 v13, $0.0e+00  }
0x83: {  	vm4 =	vle.f32 v14, $0.0e+00;
	vm3 =	vmand vm3, vm2;
	vm5 =	vgt.f32 v14, $0.0e+00  }
0x84: {  	s15 =	sadd.s32 $0xFFFFFF90, s14;
	vm2 =	vmneg vm2;
	vm3 =	vmand vm3, vm4;
	vm4 =	vle.f32 v13, $0.0e+00  }
0x85: {  	v14 =	vor.u32 s15, v2;
	v13 =	vadd.s32 s15, v1;
	vm2 =	vmand vm5, vm2  }
0x86: {  	v15 =	vand.u32 $0x7FFFFFFF, v18;
	vm5 =	vgt.s32 v13, $0x0;
	vm2 =	vmand vm4, vm2  }
0x87: {  	v17 =	vor.u32 s15, v0;
	v13 =	vnsel vm5, $0x0, v13;
	vm2 =	vmor vm3, vm2  }
0x88: {  	v15 =	vnsel vm2, $0xFF800000, v15  }
0x89: {  	v12 =	vmax.f32 v12, v15;
	[tilespmem:v16+s9+$0x0] =	vst.idx.msk $0xffff, v15  }
0x8a: {  	[tilespmem:v16+s10+$0x0] =	vst.idx.msk $0xffff, v3;
	(xrf0) =	vmax.scan.msk.f32 $0xffff, v12  }
0x8b: {  	v12 =	vld.idx.msk [tilespmem:v14+s2+$0x0], $0xffff  }
0x8c: {  	v13 =	vld.idx.msk [tilespmem:v13+s2+$0x0], $0xffff  }
0x8d: {  	v14 =	vld.idx.msk [tilespmem:v17+s2+$0x0], $0xffff;
	_ =	sdelay $0x2  }
0x8e: {  	v15, _, _ =	vpop (xrf0)  }
0x8f: {  	vm3 =	vlt.u32 v9, $0x10;
	vm2 =	vge.u32 v9, $0x10;
	v9 =	vmovc v22;
	v15 =	vbroadcast v15, $0xF  }
0x90: {  	vm3 =	vmand vm3, vm0;
	vm2 =	vmand vm0, vm2;
	vm0 =	vmmov vm1  }
0x91: {  	v13 =	vsub.f32 v14, v13;
	v12 =	vsub.f32 v12, v14;
	v10 =	vsel vm3, v15, v10  }
0x92: {  	vm1 =	vgt.f32 v14, $0.0e+00;
	v11 =	vsel vm2, v15, v11  }
0x93: {  	vm2 =	vle.f32 v12, $0.0e+00;
	vm3 =	vgt.f32 v13, $0.0e+00;
	vm4 =	vgt.f32 v12, $0.0e+00  }
0x94: {  	s15 =	sadd.s32 $0xFFFFFFA0, s14;
	vm5 =	vmneg vm1;
	vm1 =	vmand vm3, vm1;
	vm3 =	vle.f32 v13, $0.0e+00  }
0x95: {  	v12 =	vadd.s32 s15, v1;
	vm1 =	vmand vm1, vm2;
	vm2 =	vmand vm4, vm5  }
0x96: {  	v13 =	vor.u32 s15, v0;
	vm2 =	vmand vm3, vm2;
	vm3 =	vgt.s32 v12, $0x0  }
0x97: {  	v14 =	vand.u32 $0x7FFFFFFF, v14;
	vm1 =	vmor vm1, vm2;
	v12 =	vnsel vm3, $0x0, v12  }
0x98: {  	v15 =	vadd.s32 s15, v2;
	v14 =	vnsel vm1, $0xFF800000, v14  }
0x99: {  	[tilespmem:v17+s9+$0x0] =	vst.idx.msk $0xffff, v14  }
0x9a: {  	[tilespmem:v17+s10+$0x0] =	vst.idx.msk $0xffff, v3  }
0x9b: {  	v16 =	vld.idx.msk [tilespmem:v13+s2+$0x0], $0xffff  }
0x9c: {  	v12 =	vld.idx.msk [tilespmem:v12+s2+$0x0], $0xffff  }
0x9d: {  	v15 =	vld.idx.msk [tilespmem:v15+s2+$0x0], $0xffff;
	_ =	sdelay $0x4  }
0x9e: {  	v12 =	vsub.f32 v16, v12  }
0x9f: {  	v15 =	vsub.f32 v15, v16  }
0xa0: {  	vm1 =	vgt.f32 v16, $0.0e+00;
	vm2 =	vgt.f32 v12, $0.0e+00  }
0xa1: {  	vm3 =	vle.f32 v15, $0.0e+00;
	vm2 =	vmand vm2, vm1;
	vm4 =	vgt.f32 v15, $0.0e+00  }
0xa2: {  	s15 =	sadd.s32 $0xFFFFFFB0, s14;
	vm1 =	vmneg vm1;
	vm2 =	vmand vm2, vm3  }
0xa3: {  	vm1 =	vmand vm4, vm1;
	vm3 =	vle.f32 v12, $0.0e+00;
	v12 =	vadd.s32 s15, v1  }
0xa4: {  	v15 =	vor.u32 s15, v0;
	vm1 =	vmand vm3, vm1;
	vm3 =	vgt.s32 v12, $0x0  }
0xa5: {  	v16 =	vand.u32 $0x7FFFFFFF, v16;
	vm1 =	vmor vm2, vm1;
	v12 =	vnsel vm3, $0x0, v12  }
0xa6: {  	v17 =	vor.u32 s15, v2;
	v16 =	vnsel vm1, $0xFF800000, v16  }
0xa7: {  	v14 =	vmax.f32 v14, v16;
	[tilespmem:v13+s9+$0x0] =	vst.idx.msk $0xffff, v16  }
0xa8: {  	[tilespmem:v13+s10+$0x0] =	vst.idx.msk $0xffff, v3  }
0xa9: {  	v13 =	vld.idx.msk [tilespmem:v15+s2+$0x0], $0xffff  }
0xaa: {  	v12 =	vld.idx.msk [tilespmem:v12+s2+$0x0], $0xffff  }
0xab: {  	v16 =	vld.idx.msk [tilespmem:v17+s2+$0x0], $0xffff;
	_ =	sdelay $0x4  }
0xac: {  	v12 =	vsub.f32 v13, v12  }
0xad: {  	v16 =	vsub.f32 v16, v13  }
0xae: {  	vm1 =	vgt.f32 v13, $0.0e+00;
	vm2 =	vgt.f32 v12, $0.0e+00;
	vm3 =	vle.f32 v12, $0.0e+00  }
0xaf: {  	s15 =	sadd.s32 $0xFFFFFFC0, s14;
	vm4 =	vmneg vm1;
	vm1 =	vmand vm2, vm1;
	vm2 =	vgt.f32 v16, $0.0e+00  }
0xb0: {  	vm5 =	vle.f32 v16, $0.0e+00;
	v16 =	vor.u32 s15, v0;
	vm2 =	vmand vm2, vm4  }
0xb1: {  	v17 =	vadd.s32 s15, v1;
	vm1 =	vmand vm1, vm5;
	vm2 =	vmand vm3, vm2  }
0xb2: {  	v12 =	vand.u32 $0x7FFFFFFF, v13;
	vm1 =	vmor vm1, vm2;
	vm2 =	vgt.s32 v17, $0x0  }
0xb3: {  	v12 =	vnsel vm1, $0xFF800000, v12;
	v13 =	vnsel vm2, $0x0, v17;
	v17 =	vadd.s32 s15, v2  }
0xb4: {  	[tilespmem:v15+s9+$0x0] =	vst.idx.msk $0xffff, v12  }
0xb5: {  	[tilespmem:v15+s10+$0x0] =	vst.idx.msk $0xffff, v3  }
0xb6: {  	v15 =	vld.idx.msk [tilespmem:v16+s2+$0x0], $0xffff;
	_ =	sdelay $0x1  }
0xb7: {  	v17 =	vld.idx.msk [tilespmem:v17+s2+$0x0], $0xffff  }
0xb8: {  	v13 =	vld.idx.msk [tilespmem:v13+s2+$0x0], $0xffff;
	_ =	sdelay $0x4  }
0xb9: {  	v17 =	vsub.f32 v17, v15  }
0xba: {  	vm1 =	vgt.f32 v15, $0.0e+00;
	v13 =	vsub.f32 v15, v13  }
0xbb: {  	vm2 =	vmneg vm1;
	vm3 =	vgt.f32 v17, $0.0e+00  }
0xbc: {  	s15 =	sadd.s32 $0xFFFFFFD0, s14;
	vm4 =	vle.f32 v17, $0.0e+00;
	vm5 =	vgt.f32 v13, $0.0e+00;
	vm2 =	vmand vm3, vm2  }
0xbd: {  	vm3 =	vle.f32 v13, $0.0e+00;
	v13 =	vadd.s32 s15, v1;
	vm1 =	vmand vm5, vm1  }
0xbe: {  	v15 =	vand.u32 $0x7FFFFFFF, v15;
	v17 =	vor.u32 s15, v0;
	vm1 =	vmand vm1, vm4  }
0xbf: {  	vm2 =	vmand vm3, vm2;
	vm3 =	vgt.s32 v13, $0x0  }
0xc0: {  	v18 =	vnsel vm3, $0x0, v13;
	vm1 =	vmor vm1, vm2  }
0xc1: {  	v13 =	vnsel vm1, $0xFF800000, v15;
	v15 =	vor.u32 s15, v2  }
0xc2: {  	[tilespmem:v16+s9+$0x0] =	vst.idx.msk $0xffff, v13  }
0xc3: {  	[tilespmem:v16+s10+$0x0] =	vst.idx.msk $0xffff, v3  }
0xc4: {  	v16 =	vld.idx.msk [tilespmem:v17+s2+$0x0], $0xffff  }
0xc5: {  	v18 =	vld.idx.msk [tilespmem:v18+s2+$0x0], $0xffff  }
0xc6: {  	v15 =	vld.idx.msk [tilespmem:v15+s2+$0x0], $0xffff;
	_ =	sdelay $0x4  }
0xc7: {  	v18 =	vsub.f32 v16, v18  }
0xc8: {  	vm1 =	vgt.f32 v16, $0.0e+00;
	v15 =	vsub.f32 v15, v16  }
0xc9: {  	vm2 =	vmneg vm1;
	vm3 =	vgt.f32 v18, $0.0e+00;
	vm4 =	vle.f32 v18, $0.0e+00  }
0xca: {  	s15 =	sadd.s32 $0xFFFFFFE0, s14;
	vm5 =	vle.f32 v15, $0.0e+00;
	vm1 =	vmand vm3, vm1;
	vm3 =	vgt.f32 v15, $0.0e+00  }
0xcb: {  	v15 =	vadd.s32 s15, v1;
	vm1 =	vmand vm1, vm5;
	vm2 =	vmand vm3, vm2  }
0xcc: {  	v16 =	vand.u32 $0x7FFFFFFF, v16;
	vm3 =	vgt.s32 v15, $0x0;
	vm2 =	vmand vm4, vm2  }
0xcd: {  	v18 =	vor.u32 s15, v0;
	v19 =	vnsel vm3, $0x0, v15;
	vm1 =	vmor vm1, vm2  }
0xce: {  	v15 =	vnsel vm1, $0xFF800000, v16;
	v16 =	vadd.s32 s15, v2  }
0xcf: {  	[tilespmem:v17+s9+$0x0] =	vst.idx.msk $0xffff, v15  }
0xd0: {  	[tilespmem:v17+s10+$0x0] =	vst.idx.msk $0xffff, v3;
	_ =	sdelay $0x1  }
0xd1: {  	v17 =	vld.idx.msk [tilespmem:v19+s2+$0x0], $0xffff  }
0xd2: {  	v16 =	vld.idx.msk [tilespmem:v16+s2+$0x0], $0xffff  }
0xd3: {  	v19 =	vld.idx.msk [tilespmem:v18+s2+$0x0], $0xffff;
	_ =	sdelay $0x5  }
0xd4: {  	v17 =	vsub.f32 v19, v17;
	v16 =	vsub.f32 v16, v19  }
0xd5: {  	vm1 =	vgt.f32 v19, $0.0e+00  }
0xd6: {  	s15 =	sadd.s32 $0xFFFFFFF0, s14;
	vm2 =	vle.f32 v16, $0.0e+00;
	vm3 =	vgt.f32 v17, $0.0e+00;
	vm4 =	vgt.f32 v16, $0.0e+00  }
0xd7: {  	vm5 =	vmneg vm1;
	v16 =	vadd.s32 s15, v1;
	vm1 =	vmand vm3, vm1  }
0xd8: {  	vm3 =	vle.f32 v17, $0.0e+00;
	vm1 =	vmand vm1, vm2;
	vm2 =	vmand vm4, vm5  }
0xd9: {  	v20 =	vor.u32 s15, v0;
	vm2 =	vmand vm3, vm2;
	vm3 =	vgt.s32 v16, $0x0  }
0xda: {  	v17 =	vand.u32 $0x7FFFFFFF, v19;
	vm1 =	vmor vm1, vm2;
	v16 =	vnsel vm3, $0x0, v16  }
0xdb: {  	v17 =	vnsel vm1, $0xFF800000, v17  }
0xdc: {  	v19 =	vor.u32 s15, v2;
	[tilespmem:v18+s9+$0x0] =	vst.idx.msk $0xffff, v17  }
0xdd: {  	[tilespmem:v18+s10+$0x0] =	vst.idx.msk $0xffff, v3  }
0xde: {  	v18 =	vld.idx.msk [tilespmem:v20+s2+$0x0], $0xffff  }
0xdf: {  	v16 =	vld.idx.msk [tilespmem:v16+s2+$0x0], $0xffff;
	_ =	sdelay $0x1  }
0xe0: {  	v19 =	vld.idx.msk [tilespmem:v19+s2+$0x0], $0xffff;
	_ =	sdelay $0x3  }
0xe1: {  	v21 =	vsub.f32 v18, v16  }
0xe2: {  	v22 =	vadd.s32 s14, v1  }
0xe3: {  	v23 =	vadd.s32 s14, v2;
	v16 =	vor.u32 s14, v0;
	v19 =	vsub.f32 v19, v18  }
0xe4: {  	vm3 =	vlt.s32 v23, $0xFFF;
	vm1 =	vgt.f32 v18, $0.0e+00;
	vm2 =	vgt.f32 v21, $0.0e+00  }
0xe5: {  	vm4 =	vmneg vm1;
	vm5 =	vle.f32 v19, $0.0e+00;
	vm6 =	vgt.f32 v19, $0.0e+00  }
0xe6: {  	vm1 =	vmand vm2, vm1;
	vm2 =	vmand vm6, vm4;
	vm4 =	vle.f32 v21, $0.0e+00  }
0xe7: {  	vm1 =	vmand vm1, vm5;
	vm2 =	vmand vm4, vm2;
	vm4 =	vgt.s32 v22, $0x0  }
0xe8: {  	v18 =	vand.u32 $0x7FFFFFFF, v18;
	vm1 =	vmor vm1, vm2;
	v21 =	vnsel vm4, $0x0, v22  }
0xe9: {  	v22 =	vnsel vm3, $0xFFF, v23;
	v19 =	vnsel vm1, $0xFF800000, v18  }
.Ltmp3:
0xea: {  	[tilespmem:v20+s9+$0x0] =	vst.idx.msk $0xffff, v19;
	(pc) =	sbr.rel @p0 .LBB2_3-.Ltmp3, $4  }
0xeb: {  	[tilespmem:v20+s10+$0x0] =	vst.idx.msk $0xffff, v3  }
0xec: {  	v18 =	vld.idx.msk [tilespmem:v16+s2+$0x0], $0xffff  }
0xed: {  	v20 =	vld.idx.msk [tilespmem:v21+s2+$0x0], $0xffff  }
0xee: {  	v21 =	vld.idx.msk [tilespmem:v22+s2+$0x0], $0xffff  }
0xef: {  	_ =	sdelay $0x2  }
0xf0: {  	v20 =	vsub.f32 v18, v20  }
0xf1: {  	v12 =	vmax.f32 v14, v12;
	v62 =	vsub.f32 v21, v18  }
0xf2: {  	v12 =	vmax.f32 v12, v13;
	vm1 =	vgt.f32 v18, $0.0e+00;
	vm2 =	vgt.f32 v20, $0.0e+00  }
0xf3: {  	vm2 =	vmand vm2, vm1;
	vm3 =	vgt.f32 v62, $0.0e+00;
	vm1 =	vmneg vm1  }
0xf4: {  	vm4 =	vle.f32 v20, $0.0e+00;
	vm12 =	vle.f32 v62, $0.0e+00;
	vm1 =	vmand vm3, vm1  }
0xf5: {  	v12 =	vmax.f32 v12, v15;
	vm2 =	vmand vm2, vm12;
	vm1 =	vmand vm4, vm1  }
0xf6: {  	v63 =	vand.u32 $0x7FFFFFFF, v18;
	v12 =	vmax.f32 v12, v17;
	vm1 =	vmor vm2, vm1  }
0xf7: {  	v12 =	vmax.f32 v12, v19;
	v13 =	vnsel vm1, $0xFF800000, v63  }
0xf8: {  	v12 =	vmax.f32 v12, v13  }
0xf9: {  	(xrf0) =	vmax.scan.msk.f32 $0xffff, v12;
	_ =	sdelay $0x5  }
0xfa: {  	v12, _, _ =	vpop (xrf0)  }
0xfb: {  	vm13 =	vge.u32 v9, $0x10;
	vm14 =	vlt.u32 v9, $0x10;
	v12 =	vbroadcast v12, $0xF  }
0xfc: {  	vm15 =	vmand vm0, vm13;
	vm2 =	vmand vm14, vm0  }
0xfd: {  	v9 =	vsel vm2, v12, v10;
	v10 =	vsel vm15, v12, v11  }
0xfe: {  	v11 =	vmax.f32 v9, v10  }
0xff: {  	(xrf0) =	vmax.scan.msk.f32 $0xffff, v11;
	_ =	sdelay $0x5  }
0x100: {  	v11, _, _ =	vpop (xrf0)  }
0x101: {  	(v2sf) =	vpush v11, $0xF;
	_ =	sdelay $0xe  }
0x102: {  	s12 =	spop (v2sf)  }
0x103: {  	p0 =	slt.f32 s12, $-Inf;
	p1 =	sgt.f32 s12, $-Inf  }
0x104: {  	_ = 	snop  }
0x105: {  	p0 =	por p1, p0  }
0x106: {  	p0 =	por !p0, !p0  }
.Ltmp4:
0x107: {  	_ = 	snop;
	(pc) =	sbr.rel @p0 .LBB2_6-.Ltmp4, $3  }
0x108: {  	_ =	sdelay $0x1  }
0x109: {  	[tilespmem:v16+s9+$0x0] =	vst.idx.msk $0xffff, v13  }
0x10a: {  	[tilespmem:v16+s10+$0x0] =	vst.idx.msk $0xffff, v3  }
.LBB2_5:
0x10b: {  	vm0 =	veq.f32 v9, s12;
	vm1 =	veq.f32 v10, s12  }
0x10c: {  	v11 =	vmctz.xlane vm0;
	v12 =	vmctz.xlane vm1;
	_ =	sdelay $0x1  }
0x10d: {  	vm0 =	vlt.s32 v11, $0x10;
	v12 =	vadd.s32 $0x10, v12  }
0x10e: {  	v11 =	vsel vm0, v11, v12  }
0x10f: {  	v14 =	vshll.u32 v11, $0x7  }
0x110: {  	v11 =	vor.u32 v0, v14  }
0x111: {  	v55 =	vor.u32 v4, v14  }
0x112: {  	v13 =	vor.u32 v5, v14  }
0x113: {  	v15 =	vor.u32 v6, v14  }
0x114: {  	v16 =	vor.u32 v7, v14  }
0x115: {  	v11 =	vld.idx.msk [tilespmem:v11+s9+$0x0], $0xffff  }
0x116: {  	v12 =	vld.idx.msk [tilespmem:v55+s9+$0x0], $0xffff  }
0x117: {  	v17 =	vld.idx.msk [tilespmem:v13+s9+$0x0], $0xffff  }
0x118: {  	v15 =	vld.idx.msk [tilespmem:v15+s9+$0x0], $0xffff  }
0x119: {  	v13 =	vor.u32 $0x50, v0;
	v16 =	vld.idx.msk [tilespmem:v16+s9+$0x0], $0xffff  }
0x11a: {  	v18 =	vor.u32 v13, v14  }
0x11b: {  	vm13 =	veq.f32 v11, s12;
	v11 =	vor.u32 $0x60, v0;
	vm14 =	veq.f32 v12, s12  }
0x11c: {  	v12 =	vor.u32 $0x70, v0;
	vm4 =	veq.f32 v17, s12;
	v20 =	vor.u32 v11, v14  }
0x11d: {  	vm6 =	veq.f32 v15, s12;
	v19 =	vmctz.xlane vm13;
	v22 =	vor.u32 v12, v14  }
0x11e: {  	vm8 =	veq.f32 v16, s12;
	v21 =	vmctz.xlane vm14;
	v23 =	vmctz.xlane vm4  }
0x11f: {  	v60 =	vmctz.xlane vm6;
	v63 =	vmctz.xlane vm8  }
0x120: {  	v18 =	vld.idx.msk [tilespmem:v18+s9+$0x0], $0xffff;
	vm15 =	vlt.s32 v19, $0x10;
	v19 =	vadd.s32 v19, v14;
	v57 =	vadd.s32 v14, v21  }
0x121: {  	vm5 =	vlt.s32 v21, $0x10;
	v59 =	vadd.s32 v14, v23;
	vm7 =	vlt.s32 v23, $0x10;
	v20 =	vld.idx.msk [tilespmem:v20+s9+$0x0], $0xffff  }
0x122: {  	v62 =	vadd.s32 v14, v60;
	vm9 =	vlt.s32 v60, $0x10;
	v26 =	vadd.s32 v14, v63;
	v61 =	vld.idx.msk [tilespmem:v22+s9+$0x0], $0xffff  }
0x123: {  	vm11 =	vlt.s32 v63, $0x10;
	v56 =	vnsel vm15, $0x40000000, v19;
	v19 =	vadd.s32 $0x10, v57  }
0x124: {  	v24 =	vadd.s32 $0x30, v62;
	v21 =	vadd.s32 $0x40, v26;
	v58 =	vnsel vm5, $0x40000000, v19  }
0x125: {  	v19 =	vadd.s32 $0x20, v59;
	v25 =	vnsel vm9, $0x40000000, v24;
	vm10 =	veq.f32 v18, s12  }
0x126: {  	v21 =	vnsel vm11, $0x40000000, v21;
	v19 =	vnsel vm7, $0x40000000, v19;
	v27 =	vmctz.xlane vm10  }
0x127: {  	vm15 =	vlt.s32 v56, v58;
	vm12 =	veq.f32 v20, s12;
	vm13 =	veq.f32 v61, s12  }
0x128: {  	v28 =	vadd.s32 v14, v27;
	v29 =	vmctz.xlane vm12;
	v31 =	vmctz.xlane vm13  }
0x129: {  	v15 =	vsel vm15, v56, v58;
	vm2 =	vlt.s32 v27, $0x10;
	v30 =	vadd.s32 $0x50, v28  }
0x12a: {  	v32 =	vadd.s32 v14, v29;
	vm14 =	vlt.s32 v29, $0x10;
	v14 =	vadd.s32 v14, v31  }
0x12b: {  	vm1 =	vlt.s32 v31, $0x10;
	v22 =	vadd.s32 $0x60, v32;
	v14 =	vadd.s32 $0x70, v14  }
0x12c: {  	v16 =	vnsel vm2, $0x40000000, v30;
	v33 =	vnsel vm14, $0x40000000, v22;
	v14 =	vnsel vm1, $0x40000000, v14  }
0x12d: {  	vm4 =	vlt.s32 v19, v25;
	vm5 =	vlt.s32 v21, v16;
	vm6 =	vlt.s32 v33, v14  }
0x12e: {  	v34 =	vsel vm4, v19, v25;
	v16 =	vsel vm5, v21, v16;
	v14 =	vsel vm6, v33, v14  }
0x12f: {  	vm0 =	vlt.s32 v15, v34;
	vm1 =	vlt.s32 v16, v14  }
0x130: {  	v15 =	vsel vm0, v15, v34;
	v14 =	vsel vm1, v16, v14  }
0x131: {  	vm0 =	vlt.s32 v15, v14  }
0x132: {  	v14 =	vsel vm0, v15, v14  }
0x133: {  	v15 =	vadd.s32 $0xFFFFFFE0, v14  }
0x134: {  	v35 =	vadd.s32 $0x20, v14;
	vm7 =	vgt.s32 v15, $0x0  }
0x135: {  	vm8 =	vlt.s32 v35, $0xFFF;
	v15 =	vnsel vm7, $0x0, v15  }
0x136: {  	v46 =	vshra.s32 v14, $0x7;
	v16 =	vnsel vm8, $0xFFF, v35;
	v36 =	vadd.s32 v0, v15  }
0x137: {  	v37 =	vadd.s32 v4, v15;
	v40 =	vadd.s32 v5, v15;
	v42 =	vadd.s32 v6, v15  }
0x138: {  	v45 =	vadd.s32 v7, v15;
	v24 =	vshra.s32 v16, $0x7;
	v15 =	vshrl.u32 v15, $0x7  }
0x139: {  	vm9 =	vlt.s32 v36, $0xFFF;
	vm10 =	vlt.s32 v37, $0xFFF;
	vm11 =	vle.s32 v36, v16;
	v41 =	vld.idx.msk [tilespmem:v14+s2+$0x0], $0xffff  }
0x13a: {  	vm12 =	vle.s32 v37, v16;
	vm13 =	vlt.s32 v40, $0xFFF;
	v38 =	vnsel vm9, $0xFFF, v36  }
0x13b: {  	vm14 =	vle.s32 v40, v16;
	vm3 =	vlt.s32 v42, $0xFFF;
	v39 =	vnsel vm10, $0xFFF, v37  }
0x13c: {  	vm15 =	vle.s32 v42, v16;
	vm4 =	vlt.s32 v45, $0xFFF;
	v43 =	vnsel vm13, $0xFFF, v40  }
0x13d: {  	vm5 =	vle.s32 v45, v16;
	v47 =	vsub.s32 v24, v46;
	v44 =	vnsel vm3, $0xFFF, v42  }
0x13e: {  	v18 =	vnsel vm4, $0xFFF, v45;
	v15 =	vadd.s32 v15, v47;
	[tilespmem:v14+s10+$0x0] =	vst.idx.msk $0x1, v41;
	v14 =	vand.u32 $0xFFFFFF80, v14  }
0x13f: {  	v49 =	vshll.u32 v15, $0x7;
	[tilespmem:v38+s9+$0x0] =	vst.idx.msk vm11, v8;
	v48 =	vor.u32 v0, v14  }
0x140: {  	v50 =	vor.u32 v0, v49;
	[tilespmem:v39+s9+$0x0] =	vst.idx.msk vm12, v8  }
0x141: {  	v51 =	vor.u32 v4, v14;
	[tilespmem:v43+s9+$0x0] =	vst.idx.msk vm14, v8  }
0x142: {  	v52 =	vor.u32 v4, v49;
	[tilespmem:v44+s9+$0x0] =	vst.idx.msk vm15, v8  }
0x143: {  	v53 =	vor.u32 v5, v14;
	[tilespmem:v18+s9+$0x0] =	vst.idx.msk vm5, v8  }
0x144: {  	v54 =	vor.u32 v5, v49;
	v16 =	vld.idx.msk [tilespmem:v48+s9+$0x0], $0xffff  }
0x145: {  	v55 =	vor.u32 v6, v14;
	v17 =	vld.idx.msk [tilespmem:v50+s9+$0x0], $0xffff  }
0x146: {  	v25 =	vor.u32 v6, v49;
	v21 =	vld.idx.msk [tilespmem:v51+s9+$0x0], $0xffff  }
0x147: {  	v26 =	vor.u32 v7, v14;
	v20 =	vld.idx.msk [tilespmem:v52+s9+$0x0], $0xffff  }
0x148: {  	v27 =	vor.u32 v7, v49;
	v18 =	vld.idx.msk [tilespmem:v53+s9+$0x0], $0xffff  }
0x149: {  	v28 =	vor.u32 v13, v14;
	v22 =	vld.idx.msk [tilespmem:v54+s9+$0x0], $0xffff  }
0x14a: {  	v13 =	vor.u32 v13, v49;
	v24 =	vld.idx.msk [tilespmem:v55+s9+$0x0], $0xffff  }
0x14b: {  	v29 =	vor.u32 v11, v14;
	v25 =	vld.idx.msk [tilespmem:v25+s9+$0x0], $0xffff  }
0x14c: {  	v14 =	vor.u32 v12, v14;
	v26 =	vld.idx.msk [tilespmem:v26+s9+$0x0], $0xffff  }
0x14d: {  	v11 =	vor.u32 v11, v49;
	v27 =	vld.idx.msk [tilespmem:v27+s9+$0x0], $0xffff  }
0x14e: {  	v30 =	vand.u32 $0xF, v46;
	v12 =	vor.u32 v12, v49;
	v28 =	vld.idx.msk [tilespmem:v28+s9+$0x0], $0xffff  }
0x14f: {  	vm1 =	veq.s32 v30, v0;
	v56 =	vand.u32 $0xF, v15;
	v13 =	vld.idx.msk [tilespmem:v13+s9+$0x0], $0xffff  }
0x150: {  	vm8 =	vgt.s32 v46, $0xF;
	vm9 =	vgt.s32 v15, $0xF;
	vm0 =	veq.s32 v56, v0;
	v57 =	vld.idx.msk [tilespmem:v29+s9+$0x0], $0xffff  }
0x151: {  	vm2 =	vmand vm8, vm1;
	vm3 =	vmand vm9, vm0;
	v14 =	vld.idx.msk [tilespmem:v14+s9+$0x0], $0xffff  }
0x152: {  	vm10 =	vlt.s32 v46, $0x10;
	vm6 =	vmor vm2, vm3;
	vm11 =	vlt.s32 v15, $0x10;
	v11 =	vld.idx.msk [tilespmem:v11+s9+$0x0], $0xffff  }
0x153: {  	v58 =	vsel vm6, $0xFF800000, v10;
	vm12 =	vmand vm10, vm1;
	vm13 =	vmand vm11, vm0;
	v12 =	vld.idx.msk [tilespmem:v12+s9+$0x0], $0xffff  }
0x154: {  	v59 =	vmax.f32 v9, v58;
	vm4 =	vmor vm12, vm13  }
0x155: {  	v29 =	vsel vm4, v58, v59;
	v16 =	vmax.f32 v16, v21  }
0x156: {  	v18 =	vmax.f32 v18, v24;
	v60 =	vmax.f32 v26, v28;
	v14 =	vmax.f32 v57, v14  }
0x157: {  	v17 =	vmax.f32 v17, v20;
	v61 =	vmax.f32 v22, v25;
	v13 =	vmax.f32 v27, v13  }
0x158: {  	v11 =	vmax.f32 v11, v12;
	v62 =	vmax.f32 v16, v18;
	v14 =	vmax.f32 v60, v14  }
0x159: {  	(xrf0) =	vmax.scan.msk.f32 $0xffff, v29;
	v63 =	vmax.f32 v17, v61;
	v11 =	vmax.f32 v13, v11;
	v12 =	vmax.f32 v62, v14  }
0x15a: {  	v11 =	vmax.f32 v63, v11;
	(xrf0) =	vmax.scan.msk.f32 $0xffff, v12  }
0x15b: {  	(xrf0) =	vmax.scan.msk.f32 $0xffff, v11;
	_ =	sdelay $0x3  }
0x15c: {  	v11, _, _ =	vpop (xrf0)  }
0x15d: {  	(v2sf) =	vpush v11, $0xF;
	v12, _, _ =	vpop (xrf0)  }
0x15e: {  	(v2sf) =	vpush v12, $0xF;
	v11, _, _ =	vpop (xrf0)  }
0x15f: {  	(v2sf) =	vpush v11, $0xF;
	_ =	sdelay $0xc  }
0x160: {  	s31 =	spop (v2sf)  }
0x161: {  	s13 =	spop (v2sf)  }
0x162: {  	s14 =	spop (v2sf);
	s12 =	smax.f32 s31, s13  }
0x163: {  	s12 =	smax.f32 s12, s14  }
0x164: {  	p0 =	sgt.f32 s12, $-Inf  }
.Ltmp5:
0x165: {  	_ = 	snop;
	(pc) =	sbr.rel @p0 .LBB2_5-.Ltmp5, $4  }
0x166: {  	vm14 =	vge.s32 v46, $0x10;
	v12 =	vbroadcast v12, $0xF  }
0x167: {  	vm15 =	vge.s32 v15, $0x10;
	vm1 =	vmand vm1, vm14;
	v11 =	vbroadcast v11, $0xF  }
0x168: {  	vm0 =	vmand vm0, vm15;
	v9 =	vsel vm12, v12, v9;
	v10 =	vsel vm1, v12, v10  }
0x169: {  	v9 =	vsel vm13, v11, v9;
	v10 =	vsel vm0, v11, v10  }
.Ltmp6:
0x16a: {  	_ = 	snop;
	(pc) =	sbr.rel .LBB2_6-.Ltmp6, $1  }
0x16b: {  	_ =	sdelay $0x3  }
.LBB2_7:
0x16c: {  	_ =	sfence.sel $0x180000  }
0x16d: {  	[bflag:$0x0] =	sbarrier.arrive $0xFFFF  }
0x16e: {  	p0 =	sne.s32 s1, $0x0;
	_ =	strace $0x90000047  }
0x16f: {  	s0 =	sadd.s32 @!p0 $0x100000, s0;
	[bflag:$0x2] =	sbarrier.arrive $0xFFFF  }
0x170: {  	[sflag:s0] =	ssyncadd.tile.s32 @!p0 $0x1;
	_ =	shalt  }
.Lfunc_end2:
_tile_overlayer_lowered:
.L_overlay_start_2:
0x171: {  	(tag) =	ssettag $0x2  }
0x172: {  	s0 =	rddreg [dreg:$0x0];
	s2 =	stileid.u32  }
0x173: {  	s1 =	rddreg [dreg:$0x1];
	p0 =	sne.s32 s2, $0x0  }
0x174: {  	s3 =	rddreg [dreg:$0x2];
	[bflag:$0x3] =	sbarrier.arrive $0xFFFF;
	s2 =	simm.s32 @!p0 $0x1C01  }
0x175: {  	[timem:s3], [sflag:s2] =	dma.local @!p0 [hbm:s0], s1  }
0x176: {  	s0 =	simm.s32 @!p0 $0x1  }
0x177: {  	_ =	swait.ge @!p0 [sflag:s0], s1  }
0x178: {  	s1 =	ssub.s32 @!p0 $0x0, s1;
	[sflag:s0] =	ssyncset.done @!p0 $0x0  }
0x179: {  	[sflag:s0] =	ssyncadd.s32 @!p0 s1  }
0x17a: {  	[bflag:$0x3] =	sbarrier.arrive $0xFFFF  }
0x17b: {  	_ =	shalt  }

</sc_bundles>
